<compile_context>
chip_gen: v7x
topology: tpu7x:2x2x1
jax: 0.10.2.dev20260603
libtpu: 0.0.44.dev20260713+nightly
codegen_flags: <defaults>
</compile_context>

<pallas_src>
import functools

import jax
import jax.numpy as jnp
from jax.experimental import pallas as pl

D = 256
EH = 8
LEAK = 0.05
EPS = 1e-5
TM = 512


def _leaky(x):
    return jnp.where(x >= 0, x, LEAK * x)


def _dot(a, b):
    return jnp.dot(a, b, preferred_element_type=jnp.float32)


def _k1(z_ref, w0_ref, b0_ref, y_ref, st_ref):
    i = pl.program_id(0)
    y = _leaky(_dot(z_ref[...], w0_ref[...]) + b0_ref[...])
    y_ref[...] = y
    y0, y1, y2 = y[:, :D], y[:, D:2 * D], y[:, 2 * D:]
    s1 = jnp.sum(y0 + y1 + y2, axis=0, keepdims=True)
    s2 = jnp.sum(y0 * y0 + y1 * y1 + y2 * y2, axis=0, keepdims=True)
    part = jnp.concatenate([s1, s2], axis=0)

    @pl.when(i == 0)
    def _():
        st_ref[...] = jnp.zeros_like(st_ref)

    st_ref[...] += part


def _node_bn(y, st, g0, be0, n3):
    mu = st[0:1] / n3
    var = st[1:2] / n3 - mu * mu
    rs = jax.lax.rsqrt(var + EPS)
    xs = []
    for k in range(3):
        xk = y[:, k * D:(k + 1) * D]
        xs.append(_leaky(g0 * (xk - mu) * rs + be0))
    return xs


def _k2(y_ref, st_ref, g0_ref, be0_ref, wl1_ref, bl1_ref, we1_ref, be1_ref,
        hpre_ref, he_ref, lst_ref, *, n3):
    i = pl.program_id(0)
    xs = _node_bn(y_ref[...], st_ref[...], g0_ref[...], be0_ref[...], n3)
    wt, wb = wl1_ref[:D, :], wl1_ref[D:, :]
    a0 = _dot(xs[0], wt)
    a1 = _dot(xs[1], wt)
    b1 = _dot(xs[1], wb)
    b2 = _dot(xs[2], wb)
    bl1 = bl1_ref[...]
    hpre = jnp.concatenate([a0 + b1 + bl1, a1 + b2 + bl1, a0 + b2 + bl1],
                           axis=1)
    hpre_ref[...] = hpre
    et, eb = we1_ref[:D, :], we1_ref[D:, :]
    ap0 = _dot(xs[0], et)
    ap1 = _dot(xs[1], et)
    bp1 = _dot(xs[1], eb)
    bp2 = _dot(xs[2], eb)
    be1 = be1_ref[...]
    he_ref[...] = jnp.concatenate(
        [ap0 + bp1 + be1, ap0 + bp2 + be1, ap1 + bp2 + be1], axis=1)
    s1 = jnp.sum(hpre, axis=0, keepdims=True)
    s2 = jnp.sum(hpre * hpre, axis=0, keepdims=True)
    part = jnp.concatenate([s1, s2], axis=0)

    @pl.when(i == 0)
    def _():
        lst_ref[...] = jnp.zeros_like(lst_ref)

    lst_ref[...] += part


def _k3(hpre_ref, lst_ref, gl_ref, bel_ref, wl2_ref, bl2_ref, gum_ref,
        he_ref, mask_ref, est_ref, *, n):
    i = pl.program_id(0)
    st = lst_ref[...]
    mu = st[0:1] / n
    var = st[1:2] / n - mu * mu
    rs = jax.lax.rsqrt(var + EPS)
    gl, bel = gl_ref[...], bel_ref[...]
    wl2, bl2 = wl2_ref[...], bl2_ref[...]
    hpre = hpre_ref[...]
    a = []
    for l in range(3):
        sl = slice(l * D, (l + 1) * D)
        h = _leaky(gl * (hpre[:, sl] - mu[:, sl]) * rs[:, sl] + bel)
        a.append(_leaky(_dot(h, wl2) + bl2))
    a1, a2, a3 = a
    s11 = a2[:, 1:2] + a3[:, 1:2]
    ep0 = (a1[:, 0:1] + s11) / 3
    ep1 = (a2[:, 0:1] + a1[:, 1:2] + a3[:, 1:2]) / 3
    ep2 = (a3[:, 0:1] + a2[:, 1:2] + a1[:, 1:2]) / 3
    ep3 = (a1[:, 1:2] + s11) / 3
    ep = jnp.concatenate([ep0, ep1, ep2, ep3], axis=1)
    m = jnp.max(ep, axis=1, keepdims=True)
    u = jnp.exp(ep - m)
    p = u / jnp.sum(u, axis=1, keepdims=True)
    lp = jnp.log(p + 1e-4) + gum_ref[...]
    best = lp[:, 0:1]
    idx = jnp.zeros_like(best)
    for j in (1, 2, 3):
        c = lp[:, j:j + 1]
        gt = c > best
        best = jnp.where(gt, c, best)
        idx = jnp.where(gt, jnp.float32(j), idx)
    m12 = (idx != 0.0).astype(jnp.float32)
    m13 = (idx != 2.0).astype(jnp.float32)
    m23 = (idx != 1.0).astype(jnp.float32)
    mask = jnp.concatenate([m12, m13, m23], axis=1)
    mask_ref[...] = mask
    he = he_ref[...]
    e12, e13, e23 = he[:, :EH], he[:, EH:2 * EH], he[:, 2 * EH:]
    ws = m12 * e12 + m13 * e13 + m23 * e23
    wq = m12 * e12 * e12 + m13 * e13 * e13 + m23 * e23 * e23
    s1 = jnp.sum(ws, axis=0, keepdims=True)
    s2 = jnp.sum(wq, axis=0, keepdims=True)
    cnt = jnp.sum(mask, axis=0, keepdims=True)
    row0 = jnp.concatenate([s1, jnp.sum(cnt, axis=1, keepdims=True),
                            jnp.zeros((1, 7), jnp.float32)], axis=1)
    row1 = jnp.concatenate([s2, jnp.zeros((1, 8), jnp.float32)], axis=1)
    part = jnp.concatenate([row0, row1], axis=0)

    @pl.when(i == 0)
    def _():
        est_ref[...] = jnp.zeros_like(est_ref)

    est_ref[...] += part


def _k4(y_ref, st_ref, g0_ref, be0_ref, he_ref, mask_ref, est_ref,
        ge_ref, bee_ref, we2_ref, be2_ref, out_ref, *, n3):
    xs = _node_bn(y_ref[...], st_ref[...], g0_ref[...], be0_ref[...], n3)
    est = est_ref[...]
    cnt = est[0:1, EH:EH + 1]
    mu = est[0:1, :EH] / cnt
    var = est[1:2, :EH] / cnt - mu * mu
    rs = jax.lax.rsqrt(var + EPS)
    ge, bee = ge_ref[...], bee_ref[...]
    we2, be2 = we2_ref[...], be2_ref[...]
    he = he_ref[...]
    mask = mask_ref[...]
    ea = []
    for e in range(3):
        h = he[:, e * EH:(e + 1) * EH]
        eh = _leaky(ge * (h - mu) * rs + bee)
        ea.append(_leaky(_dot(eh, we2) + be2) * mask[:, e:e + 1])
    ea12, ea13, ea23 = ea
    agg0 = ea12 + ea13
    agg1 = ea12 + ea23
    agg2 = ea13 + ea23
    out_ref[...] = jnp.concatenate(
        [xs[0], agg0, xs[1], agg1, xs[2], agg2], axis=1)


def kernel(z, W0, b0, g0, be0, Wl1, bl1, gl, bel, Wl2, bl2, We1, be1, ge,
           bee, We2, be2):
    n = z.shape[0]
    in_dim = z.shape[1]
    n3 = float(3 * n)
    nf = float(n)
    gum = jax.random.gumbel(jax.random.key(1), (n, 4), jnp.float32)
    b0r = b0.reshape(1, -1)
    g0r, be0r = g0.reshape(1, -1), be0.reshape(1, -1)
    bl1r = bl1.reshape(1, -1)
    glr, belr = gl.reshape(1, -1), bel.reshape(1, -1)
    bl2r = bl2.reshape(1, -1)
    be1r = be1.reshape(1, -1)
    ger, beer = ge.reshape(1, -1), bee.reshape(1, -1)
    be2r = be2.reshape(1, -1)
    grid = (n // TM,)
    rep = lambda i: (0, 0)
    row = lambda i: (i, 0)

    y, st = pl.pallas_call(
        _k1,
        grid=grid,
        in_specs=[pl.BlockSpec((TM, in_dim), row),
                  pl.BlockSpec((in_dim, 3 * D), rep),
                  pl.BlockSpec((1, 3 * D), rep)],
        out_specs=[pl.BlockSpec((TM, 3 * D), row),
                   pl.BlockSpec((2, D), rep)],
        out_shape=[jax.ShapeDtypeStruct((n, 3 * D), jnp.float32),
                   jax.ShapeDtypeStruct((2, D), jnp.float32)],
    )(z, W0, b0r)

    hpre, he, lst = pl.pallas_call(
        functools.partial(_k2, n3=n3),
        grid=grid,
        in_specs=[pl.BlockSpec((TM, 3 * D), row),
                  pl.BlockSpec((2, D), rep),
                  pl.BlockSpec((1, D), rep),
                  pl.BlockSpec((1, D), rep),
                  pl.BlockSpec((2 * D, D), rep),
                  pl.BlockSpec((1, D), rep),
                  pl.BlockSpec((2 * D, EH), rep),
                  pl.BlockSpec((1, EH), rep)],
        out_specs=[pl.BlockSpec((TM, 3 * D), row),
                   pl.BlockSpec((TM, 3 * EH), row),
                   pl.BlockSpec((2, 3 * D), rep)],
        out_shape=[jax.ShapeDtypeStruct((n, 3 * D), jnp.float32),
                   jax.ShapeDtypeStruct((n, 3 * EH), jnp.float32),
                   jax.ShapeDtypeStruct((2, 3 * D), jnp.float32)],
    )(y, st, g0r, be0r, Wl1, bl1r, We1, be1r)

    mask, est = pl.pallas_call(
        functools.partial(_k3, n=nf),
        grid=grid,
        in_specs=[pl.BlockSpec((TM, 3 * D), row),
                  pl.BlockSpec((2, 3 * D), rep),
                  pl.BlockSpec((1, D), rep),
                  pl.BlockSpec((1, D), rep),
                  pl.BlockSpec((D, 2), rep),
                  pl.BlockSpec((1, 2), rep),
                  pl.BlockSpec((TM, 4), row),
                  pl.BlockSpec((TM, 3 * EH), row)],
        out_specs=[pl.BlockSpec((TM, 3), row),
                   pl.BlockSpec((2, 2 * EH), rep)],
        out_shape=[jax.ShapeDtypeStruct((n, 3), jnp.float32),
                   jax.ShapeDtypeStruct((2, 2 * EH), jnp.float32)],
    )(hpre, lst, glr, belr, Wl2, bl2r, gum, he)

    out = pl.pallas_call(
        functools.partial(_k4, n3=n3),
        grid=grid,
        in_specs=[pl.BlockSpec((TM, 3 * D), row),
                  pl.BlockSpec((2, D), rep),
                  pl.BlockSpec((1, D), rep),
                  pl.BlockSpec((1, D), rep),
                  pl.BlockSpec((TM, 3 * EH), row),
                  pl.BlockSpec((TM, 3), row),
                  pl.BlockSpec((2, 2 * EH), rep),
                  pl.BlockSpec((1, EH), rep),
                  pl.BlockSpec((1, EH), rep),
                  pl.BlockSpec((EH, EH), rep),
                  pl.BlockSpec((1, EH), rep)],
        out_specs=pl.BlockSpec((TM, 3 * (D + EH)), row),
        out_shape=jax.ShapeDtypeStruct((n, 3 * (D + EH)), jnp.float32),
    )(y, st, g0r, be0r, he, mask, est, ger, beer, We2, be2r)

    return out.reshape(3 * n, D + EH)

# --- scband reference (transcript-rebuilt; emitter-appended) ---
"""Pipeline reference for scband-rgulgenerator-32504312496831 (READ-ONLY COPY).

The authoritative reference and input builder live on the scoring server;
editing this copy changes nothing except your own understanding.
"""

import jax, jax.numpy as jnp
import numpy as np

N = 16384
IN_DIM = 128
INIT_DIM = 256
EH = 8
LEAK = 0.05


def _leaky(x):
    return jnp.where(x >= 0, x, LEAK * x)


def _bn(x, g, b):
    mu = x.mean(0)
    v = x.var(0)
    return g * (x - mu) * jax.lax.rsqrt(v + 1e-5) + b


def setup_inputs(seed: int = 0) -> dict:
    key = jax.random.key(seed)
    ks = jax.random.split(key, 8)
    def g(k, shape, scale=0.05):
        return jax.random.normal(k, shape, dtype=jnp.float32) * scale
    return {
        "z": jax.random.normal(ks[0], (N, IN_DIM), dtype=jnp.float32),
        "W0": g(ks[1], (IN_DIM, 3 * INIT_DIM)), "b0": jnp.zeros((3 * INIT_DIM,), jnp.float32),
        "g0": jnp.ones((INIT_DIM,), jnp.float32), "be0": jnp.zeros((INIT_DIM,), jnp.float32),
        "Wl1": g(ks[2], (2 * INIT_DIM, INIT_DIM)), "bl1": jnp.zeros((INIT_DIM,), jnp.float32),
        "gl": jnp.ones((INIT_DIM,), jnp.float32), "bel": jnp.zeros((INIT_DIM,), jnp.float32),
        "Wl2": g(ks[3], (INIT_DIM, 2)), "bl2": jnp.zeros((2,), jnp.float32),
        "We1": g(ks[4], (2 * INIT_DIM, EH)), "be1": jnp.zeros((EH,), jnp.float32),
        "ge": jnp.ones((EH,), jnp.float32), "bee": jnp.zeros((EH,), jnp.float32),
        "We2": g(ks[5], (EH, EH)), "be2": jnp.zeros((EH,), jnp.float32),
    }


def reference(z, W0, b0, g0, be0, Wl1, bl1, gl, bel, Wl2, bl2, We1, be1, ge, bee, We2, be2):
    n = z.shape[0]
    xs = _leaky(z @ W0 + b0).reshape(3 * n, INIT_DIM)
    xs = _leaky(_bn(xs, g0, be0))
    x3 = xs.reshape(n, 3, INIT_DIM)

    def link(xi, xj):
        h = _leaky(_bn(jnp.concatenate([xi, xj], axis=1) @ Wl1 + bl1, gl, bel))
        return _leaky(h @ Wl2 + bl2)

    a1 = link(x3[:, 0], x3[:, 1])
    a2 = link(x3[:, 1], x3[:, 2])
    a3 = link(x3[:, 0], x3[:, 2])
    ep = jnp.stack([
        (a1[:, 0] + a2[:, 1] + a3[:, 1]) / 3,
        (a2[:, 0] + a1[:, 1] + a3[:, 1]) / 3,
        (a3[:, 0] + a2[:, 1] + a1[:, 1]) / 3,
        (a1[:, 1] + a2[:, 1] + a3[:, 1]) / 3,
    ], axis=1)
    ep = jax.nn.softmax(ep, axis=1) + 1e-4
    lbl = jax.random.categorical(jax.random.key(1), jnp.log(ep), axis=1)
    n1 = jnp.arange(n, dtype=jnp.int32) * 3
    n2 = n1 + 1
    n3 = n1 + 2
    m12 = (lbl != 0)
    m13 = (lbl != 2)
    m23 = (lbl != 1)
    src = jnp.concatenate([n1, n1, n2])
    dst = jnp.concatenate([n2, n3, n3])
    mask = jnp.concatenate([m12, m13, m23]).astype(jnp.float32)
    mf = mask[:, None]
    cnt = mask.sum()
    # EdgeAttrConstruct: MLP(BN) on gathered endpoint features
    h = jnp.concatenate([xs[src], xs[dst]], axis=1) @ We1 + be1
    mu = (mf * h).sum(0) / cnt
    v = (mf * (h - mu) ** 2).sum(0) / cnt
    eh = _leaky(ge * (h - mu) * jax.lax.rsqrt(v + 1e-5) + bee)
    ea = _leaky(eh @ We2 + be2) * mf
    # to_undirected: mirror edges and edge attrs
    agg = jax.ops.segment_sum(ea, dst, num_segments=3 * n) + jax.ops.segment_sum(ea, src, num_segments=3 * n)
    return jnp.concatenate([xs, agg], axis=1)

if __name__ == "__main__":
    import jax
    _d = setup_inputs()
    print(jax.jit(kernel)(*tuple(_d.values())))

</pallas_src>

<mosaic_0001>
module attributes {stable_mosaic.version = 14 : i64} {
  func.func @_k3(%arg0: i32, %arg1: memref<512x768xf32, #tpu.memory_space<vmem>>, %arg2: memref<2x768xf32, #tpu.memory_space<vmem>>, %arg3: memref<1x256xf32, #tpu.memory_space<vmem>>, %arg4: memref<1x256xf32, #tpu.memory_space<vmem>>, %arg5: memref<256x2xf32, #tpu.memory_space<vmem>>, %arg6: memref<1x2xf32, #tpu.memory_space<vmem>>, %arg7: memref<512x4xf32, #tpu.memory_space<vmem>>, %arg8: memref<512x24xf32, #tpu.memory_space<vmem>>, %arg9: memref<512x3xf32, #tpu.memory_space<vmem>>, %arg10: memref<2x16xf32, #tpu.memory_space<vmem>>) attributes {dimension_semantics = [#tpu.dimension_semantics<arbitrary>], iteration_bounds = array<i64: 32>, scalar_prefetch = 0 : i64, scratch_operands = 0 : i64, tpu.core_type = #tpu.core_type<tc>, window_params = [{transform_indices = @transform_0, window_bounds = array<i64: 512, 768>}, {pipeline_mode = #tpu.pipeline_mode<synchronous>, transform_indices = @transform_1, window_bounds = array<i64: 2, 768>}, {pipeline_mode = #tpu.pipeline_mode<synchronous>, transform_indices = @transform_2, window_bounds = array<i64: 1, 256>}, {pipeline_mode = #tpu.pipeline_mode<synchronous>, transform_indices = @transform_3, window_bounds = array<i64: 1, 256>}, {pipeline_mode = #tpu.pipeline_mode<synchronous>, transform_indices = @transform_4, window_bounds = array<i64: 256, 2>}, {pipeline_mode = #tpu.pipeline_mode<synchronous>, transform_indices = @transform_5, window_bounds = array<i64: 1, 2>}, {transform_indices = @transform_6, window_bounds = array<i64: 512, 4>}, {transform_indices = @transform_7, window_bounds = array<i64: 512, 24>}, {transform_indices = @transform_8, window_bounds = array<i64: 512, 3>}, {pipeline_mode = #tpu.pipeline_mode<synchronous>, transform_indices = @transform_9, window_bounds = array<i64: 2, 16>}]} {
    %get3A = arith.constant 0 : index
    %get3A_0 = arith.constant 0 : index
    %get3A_1 = vector.load %arg2[%get3A, %get3A_0] : memref<2x768xf32, #tpu.memory_space<vmem>>, vector<2x768xf32>
    %slice3A = vector.extract_strided_slice %get3A_1 {offsets = [0, 0], sizes = [1, 768], strides = [1, 1]} : vector<2x768xf32> to vector<1x768xf32>
    %div3A = arith.constant 1.638400e+04 : f32
    %div3A_2 = vector.broadcast %div3A : f32 to vector<1x768xf32>
    %div3A_3 = arith.divf %slice3A, %div3A_2 : vector<1x768xf32>
    %slice3A_4 = vector.extract_strided_slice %get3A_1 {offsets = [1, 0], sizes = [1, 768], strides = [1, 1]} : vector<2x768xf32> to vector<1x768xf32>
    %div3A_5 = arith.constant 1.638400e+04 : f32
    %div3A_6 = vector.broadcast %div3A_5 : f32 to vector<1x768xf32>
    %div3A_7 = arith.divf %slice3A_4, %div3A_6 : vector<1x768xf32>
    %mul3A = arith.mulf %div3A_3, %div3A_3 : vector<1x768xf32>
    %sub3A = arith.subf %div3A_7, %mul3A : vector<1x768xf32>
    %add3A = arith.constant 9.99999974E-6 : f32
    %add3A_8 = vector.broadcast %add3A : f32 to vector<1x768xf32>
    %add3A_9 = arith.addf %sub3A, %add3A_8 : vector<1x768xf32>
    %rsqrt3A = math.rsqrt %add3A_9 : vector<1x768xf32>
    %get3A_10 = arith.constant 0 : index
    %get3A_11 = arith.constant 0 : index
    %get3A_12 = vector.load %arg3[%get3A_10, %get3A_11] : memref<1x256xf32, #tpu.memory_space<vmem>>, vector<1x256xf32>
    %get3A_13 = arith.constant 0 : index
    %get3A_14 = arith.constant 0 : index
    %get3A_15 = vector.load %arg4[%get3A_13, %get3A_14] : memref<1x256xf32, #tpu.memory_space<vmem>>, vector<1x256xf32>
    %get3A_16 = arith.constant 0 : index
    %get3A_17 = arith.constant 0 : index
    %get3A_18 = vector.load %arg5[%get3A_16, %get3A_17] : memref<256x2xf32, #tpu.memory_space<vmem>>, vector<256x2xf32>
    %get3A_19 = arith.constant 0 : index
    %get3A_20 = arith.constant 0 : index
    %get3A_21 = vector.load %arg6[%get3A_19, %get3A_20] : memref<1x2xf32, #tpu.memory_space<vmem>>, vector<1x2xf32>
    %get3A_22 = arith.constant 0 : index
    %get3A_23 = arith.constant 0 : index
    %get3A_24 = vector.load %arg1[%get3A_22, %get3A_23] : memref<512x768xf32, #tpu.memory_space<vmem>>, vector<512x768xf32>
    %slice3A_25 = vector.extract_strided_slice %get3A_24 {offsets = [0, 0], sizes = [512, 256], strides = [1, 1]} : vector<512x768xf32> to vector<512x256xf32>
    %slice3A_26 = vector.extract_strided_slice %div3A_3 {offsets = [0, 0], sizes = [1, 256], strides = [1, 1]} : vector<1x768xf32> to vector<1x256xf32>
    %sub3A_27 = vector.broadcast %slice3A_26 : vector<1x256xf32> to vector<512x256xf32>
    %sub3A_28 = arith.subf %slice3A_25, %sub3A_27 : vector<512x256xf32>
    %mul3A_29 = vector.broadcast %get3A_12 : vector<1x256xf32> to vector<512x256xf32>
    %mul3A_30 = arith.mulf %mul3A_29, %sub3A_28 : vector<512x256xf32>
    %slice3A_31 = vector.extract_strided_slice %rsqrt3A {offsets = [0, 0], sizes = [1, 256], strides = [1, 1]} : vector<1x768xf32> to vector<1x256xf32>
    %mul3A_32 = vector.broadcast %slice3A_31 : vector<1x256xf32> to vector<512x256xf32>
    %mul3A_33 = arith.mulf %mul3A_30, %mul3A_32 : vector<512x256xf32>
    %add3A_34 = vector.broadcast %get3A_15 : vector<1x256xf32> to vector<512x256xf32>
    %add3A_35 = arith.addf %mul3A_33, %add3A_34 : vector<512x256xf32>
    %ge3A = arith.constant 0.000000e+00 : f32
    %ge3A_36 = vector.broadcast %ge3A : f32 to vector<512x256xf32>
    %ge3A_37 = arith.cmpf oge, %add3A_35, %ge3A_36 : vector<512x256xf32>
    %mul3A_38 = arith.constant 5.000000e-02 : f32
    %mul3A_39 = vector.broadcast %mul3A_38 : f32 to vector<512x256xf32>
    %mul3A_40 = arith.mulf %mul3A_39, %add3A_35 : vector<512x256xf32>
    %select_n3A = arith.select %ge3A_37, %add3A_35, %mul3A_40 : vector<512x256xi1>, vector<512x256xf32>
    %dot_general3A = arith.constant dense<0.000000e+00> : vector<512x2xf32>
    %dot_general3A_41 = tpu.matmul %select_n3A, %get3A_18, %dot_general3A {dimension_numbers = #tpu.dot_dimension_numbers<[1], [0], [0], [1], [0, 0, 1, 1], [], []>, transpose_lhs_hint = false} : vector<512x256xf32>, vector<256x2xf32>, vector<512x2xf32> -> vector<512x2xf32>
    %add3A_42 = vector.broadcast %get3A_21 : vector<1x2xf32> to vector<512x2xf32>
    %add3A_43 = arith.addf %dot_general3A_41, %add3A_42 : vector<512x2xf32>
    %ge3A_44 = arith.constant 0.000000e+00 : f32
    %ge3A_45 = vector.broadcast %ge3A_44 : f32 to vector<512x2xf32>
    %ge3A_46 = arith.cmpf oge, %add3A_43, %ge3A_45 : vector<512x2xf32>
    %mul3A_47 = arith.constant 5.000000e-02 : f32
    %mul3A_48 = vector.broadcast %mul3A_47 : f32 to vector<512x2xf32>
    %mul3A_49 = arith.mulf %mul3A_48, %add3A_43 : vector<512x2xf32>
    %select_n3A_50 = arith.select %ge3A_46, %add3A_43, %mul3A_49 : vector<512x2xi1>, vector<512x2xf32>
    %slice3A_51 = vector.extract_strided_slice %get3A_24 {offsets = [0, 256], sizes = [512, 256], strides = [1, 1]} : vector<512x768xf32> to vector<512x256xf32>
    %slice3A_52 = vector.extract_strided_slice %div3A_3 {offsets = [0, 256], sizes = [1, 256], strides = [1, 1]} : vector<1x768xf32> to vector<1x256xf32>
    %sub3A_53 = vector.broadcast %slice3A_52 : vector<1x256xf32> to vector<512x256xf32>
    %sub3A_54 = arith.subf %slice3A_51, %sub3A_53 : vector<512x256xf32>
    %mul3A_55 = vector.broadcast %get3A_12 : vector<1x256xf32> to vector<512x256xf32>
    %mul3A_56 = arith.mulf %mul3A_55, %sub3A_54 : vector<512x256xf32>
    %slice3A_57 = vector.extract_strided_slice %rsqrt3A {offsets = [0, 256], sizes = [1, 256], strides = [1, 1]} : vector<1x768xf32> to vector<1x256xf32>
    %mul3A_58 = vector.broadcast %slice3A_57 : vector<1x256xf32> to vector<512x256xf32>
    %mul3A_59 = arith.mulf %mul3A_56, %mul3A_58 : vector<512x256xf32>
    %add3A_60 = vector.broadcast %get3A_15 : vector<1x256xf32> to vector<512x256xf32>
    %add3A_61 = arith.addf %mul3A_59, %add3A_60 : vector<512x256xf32>
    %ge3A_62 = arith.constant 0.000000e+00 : f32
    %ge3A_63 = vector.broadcast %ge3A_62 : f32 to vector<512x256xf32>
    %ge3A_64 = arith.cmpf oge, %add3A_61, %ge3A_63 : vector<512x256xf32>
    %mul3A_65 = arith.constant 5.000000e-02 : f32
    %mul3A_66 = vector.broadcast %mul3A_65 : f32 to vector<512x256xf32>
    %mul3A_67 = arith.mulf %mul3A_66, %add3A_61 : vector<512x256xf32>
    %select_n3A_68 = arith.select %ge3A_64, %add3A_61, %mul3A_67 : vector<512x256xi1>, vector<512x256xf32>
    %dot_general3A_69 = arith.constant dense<0.000000e+00> : vector<512x2xf32>
    %dot_general3A_70 = tpu.matmul %select_n3A_68, %get3A_18, %dot_general3A_69 {dimension_numbers = #tpu.dot_dimension_numbers<[1], [0], [0], [1], [0, 0, 1, 1], [], []>, transpose_lhs_hint = false} : vector<512x256xf32>, vector<256x2xf32>, vector<512x2xf32> -> vector<512x2xf32>
    %add3A_71 = vector.broadcast %get3A_21 : vector<1x2xf32> to vector<512x2xf32>
    %add3A_72 = arith.addf %dot_general3A_70, %add3A_71 : vector<512x2xf32>
    %ge3A_73 = arith.constant 0.000000e+00 : f32
    %ge3A_74 = vector.broadcast %ge3A_73 : f32 to vector<512x2xf32>
    %ge3A_75 = arith.cmpf oge, %add3A_72, %ge3A_74 : vector<512x2xf32>
    %mul3A_76 = arith.constant 5.000000e-02 : f32
    %mul3A_77 = vector.broadcast %mul3A_76 : f32 to vector<512x2xf32>
    %mul3A_78 = arith.mulf %mul3A_77, %add3A_72 : vector<512x2xf32>
    %select_n3A_79 = arith.select %ge3A_75, %add3A_72, %mul3A_78 : vector<512x2xi1>, vector<512x2xf32>
    %slice3A_80 = vector.extract_strided_slice %get3A_24 {offsets = [0, 512], sizes = [512, 256], strides = [1, 1]} : vector<512x768xf32> to vector<512x256xf32>
    %slice3A_81 = vector.extract_strided_slice %div3A_3 {offsets = [0, 512], sizes = [1, 256], strides = [1, 1]} : vector<1x768xf32> to vector<1x256xf32>
    %sub3A_82 = vector.broadcast %slice3A_81 : vector<1x256xf32> to vector<512x256xf32>
    %sub3A_83 = arith.subf %slice3A_80, %sub3A_82 : vector<512x256xf32>
    %mul3A_84 = vector.broadcast %get3A_12 : vector<1x256xf32> to vector<512x256xf32>
    %mul3A_85 = arith.mulf %mul3A_84, %sub3A_83 : vector<512x256xf32>
    %slice3A_86 = vector.extract_strided_slice %rsqrt3A {offsets = [0, 512], sizes = [1, 256], strides = [1, 1]} : vector<1x768xf32> to vector<1x256xf32>
    %mul3A_87 = vector.broadcast %slice3A_86 : vector<1x256xf32> to vector<512x256xf32>
    %mul3A_88 = arith.mulf %mul3A_85, %mul3A_87 : vector<512x256xf32>
    %add3A_89 = vector.broadcast %get3A_15 : vector<1x256xf32> to vector<512x256xf32>
    %add3A_90 = arith.addf %mul3A_88, %add3A_89 : vector<512x256xf32>
    %ge3A_91 = arith.constant 0.000000e+00 : f32
    %ge3A_92 = vector.broadcast %ge3A_91 : f32 to vector<512x256xf32>
    %ge3A_93 = arith.cmpf oge, %add3A_90, %ge3A_92 : vector<512x256xf32>
    %mul3A_94 = arith.constant 5.000000e-02 : f32
    %mul3A_95 = vector.broadcast %mul3A_94 : f32 to vector<512x256xf32>
    %mul3A_96 = arith.mulf %mul3A_95, %add3A_90 : vector<512x256xf32>
    %select_n3A_97 = arith.select %ge3A_93, %add3A_90, %mul3A_96 : vector<512x256xi1>, vector<512x256xf32>
    %dot_general3A_98 = arith.constant dense<0.000000e+00> : vector<512x2xf32>
    %dot_general3A_99 = tpu.matmul %select_n3A_97, %get3A_18, %dot_general3A_98 {dimension_numbers = #tpu.dot_dimension_numbers<[1], [0], [0], [1], [0, 0, 1, 1], [], []>, transpose_lhs_hint = false} : vector<512x256xf32>, vector<256x2xf32>, vector<512x2xf32> -> vector<512x2xf32>
    %add3A_100 = vector.broadcast %get3A_21 : vector<1x2xf32> to vector<512x2xf32>
    %add3A_101 = arith.addf %dot_general3A_99, %add3A_100 : vector<512x2xf32>
    %ge3A_102 = arith.constant 0.000000e+00 : f32
    %ge3A_103 = vector.broadcast %ge3A_102 : f32 to vector<512x2xf32>
    %ge3A_104 = arith.cmpf oge, %add3A_101, %ge3A_103 : vector<512x2xf32>
    %mul3A_105 = arith.constant 5.000000e-02 : f32
    %mul3A_106 = vector.broadcast %mul3A_105 : f32 to vector<512x2xf32>
    %mul3A_107 = arith.mulf %mul3A_106, %add3A_101 : vector<512x2xf32>
    %select_n3A_108 = arith.select %ge3A_104, %add3A_101, %mul3A_107 : vector<512x2xi1>, vector<512x2xf32>
    %slice3A_109 = vector.extract_strided_slice %select_n3A_79 {offsets = [0, 1], sizes = [512, 1], strides = [1, 1]} : vector<512x2xf32> to vector<512x1xf32>
    %slice3A_110 = vector.extract_strided_slice %select_n3A_108 {offsets = [0, 1], sizes = [512, 1], strides = [1, 1]} : vector<512x2xf32> to vector<512x1xf32>
    %add3A_111 = arith.addf %slice3A_109, %slice3A_110 : vector<512x1xf32>
    %slice3A_112 = vector.extract_strided_slice %select_n3A_50 {offsets = [0, 0], sizes = [512, 1], strides = [1, 1]} : vector<512x2xf32> to vector<512x1xf32>
    %add3A_113 = arith.addf %slice3A_112, %add3A_111 : vector<512x1xf32>
    %div3A_114 = arith.constant 3.000000e+00 : f32
    %div3A_115 = vector.broadcast %div3A_114 : f32 to vector<512x1xf32>
    %div3A_116 = arith.divf %add3A_113, %div3A_115 : vector<512x1xf32>
    %slice3A_117 = vector.extract_strided_slice %select_n3A_79 {offsets = [0, 0], sizes = [512, 1], strides = [1, 1]} : vector<512x2xf32> to vector<512x1xf32>
    %slice3A_118 = vector.extract_strided_slice %select_n3A_50 {offsets = [0, 1], sizes = [512, 1], strides = [1, 1]} : vector<512x2xf32> to vector<512x1xf32>
    %add3A_119 = arith.addf %slice3A_117, %slice3A_118 : vector<512x1xf32>
    %slice3A_120 = vector.extract_strided_slice %select_n3A_108 {offsets = [0, 1], sizes = [512, 1], strides = [1, 1]} : vector<512x2xf32> to vector<512x1xf32>
    %add3A_121 = arith.addf %add3A_119, %slice3A_120 : vector<512x1xf32>
    %div3A_122 = arith.constant 3.000000e+00 : f32
    %div3A_123 = vector.broadcast %div3A_122 : f32 to vector<512x1xf32>
    %div3A_124 = arith.divf %add3A_121, %div3A_123 : vector<512x1xf32>
    %slice3A_125 = vector.extract_strided_slice %select_n3A_108 {offsets = [0, 0], sizes = [512, 1], strides = [1, 1]} : vector<512x2xf32> to vector<512x1xf32>
    %slice3A_126 = vector.extract_strided_slice %select_n3A_79 {offsets = [0, 1], sizes = [512, 1], strides = [1, 1]} : vector<512x2xf32> to vector<512x1xf32>
    %add3A_127 = arith.addf %slice3A_125, %slice3A_126 : vector<512x1xf32>
    %slice3A_128 = vector.extract_strided_slice %select_n3A_50 {offsets = [0, 1], sizes = [512, 1], strides = [1, 1]} : vector<512x2xf32> to vector<512x1xf32>
    %add3A_129 = arith.addf %add3A_127, %slice3A_128 : vector<512x1xf32>
    %div3A_130 = arith.constant 3.000000e+00 : f32
    %div3A_131 = vector.broadcast %div3A_130 : f32 to vector<512x1xf32>
    %div3A_132 = arith.divf %add3A_129, %div3A_131 : vector<512x1xf32>
    %slice3A_133 = vector.extract_strided_slice %select_n3A_50 {offsets = [0, 1], sizes = [512, 1], strides = [1, 1]} : vector<512x2xf32> to vector<512x1xf32>
    %add3A_134 = arith.addf %slice3A_133, %add3A_111 : vector<512x1xf32>
    %div3A_135 = arith.constant 3.000000e+00 : f32
    %div3A_136 = vector.broadcast %div3A_135 : f32 to vector<512x1xf32>
    %div3A_137 = arith.divf %add3A_134, %div3A_136 : vector<512x1xf32>
    %concatenate3A = tpu.concatenate %div3A_116, %div3A_124, %div3A_132, %div3A_137 in 1 : vector<512x1xf32>, vector<512x1xf32>, vector<512x1xf32>, vector<512x1xf32> -> vector<512x4xf32>
    %reduce_max3A = arith.constant dense<0xFF800000> : vector<512xf32>
    %reduce_max3A_138 = vector.multi_reduction <maximumf>, %concatenate3A, %reduce_max3A [1] : vector<512x4xf32> to vector<512xf32>
    %broadcast_in_dim3A = vector.shape_cast %reduce_max3A_138 : vector<512xf32> to vector<512x1xf32>
    %sub3A_139 = vector.broadcast %broadcast_in_dim3A : vector<512x1xf32> to vector<512x4xf32>
    %sub3A_140 = arith.subf %concatenate3A, %sub3A_139 : vector<512x4xf32>
    %exp3A = math.exp %sub3A_140 : vector<512x4xf32>
    %reduce_sum3A = arith.constant dense<0.000000e+00> : vector<512xf32>
    %reduce_sum3A_141 = vector.multi_reduction <add>, %exp3A, %reduce_sum3A [1] : vector<512x4xf32> to vector<512xf32>
    %broadcast_in_dim3A_142 = vector.shape_cast %reduce_sum3A_141 : vector<512xf32> to vector<512x1xf32>
    %div3A_143 = vector.broadcast %broadcast_in_dim3A_142 : vector<512x1xf32> to vector<512x4xf32>
    %div3A_144 = arith.divf %exp3A, %div3A_143 : vector<512x4xf32>
    %add3A_145 = arith.constant 9.99999974E-5 : f32
    %add3A_146 = vector.broadcast %add3A_145 : f32 to vector<512x4xf32>
    %add3A_147 = arith.addf %div3A_144, %add3A_146 : vector<512x4xf32>
    %log3A = math.log %add3A_147 : vector<512x4xf32>
    %get3A_148 = arith.constant 0 : index
    %get3A_149 = arith.constant 0 : index
    %get3A_150 = vector.load %arg7[%get3A_148, %get3A_149] : memref<512x4xf32, #tpu.memory_space<vmem>>, vector<512x4xf32>
    %add3A_151 = arith.addf %log3A, %get3A_150 : vector<512x4xf32>
    %slice3A_152 = vector.extract_strided_slice %add3A_151 {offsets = [0, 0], sizes = [512, 1], strides = [1, 1]} : vector<512x4xf32> to vector<512x1xf32>
    %broadcast_in_dim3A_153 = arith.constant 0.000000e+00 : f32
    %broadcast_in_dim3A_154 = vector.broadcast %broadcast_in_dim3A_153 : f32 to vector<512x1xf32>
    %slice3A_155 = vector.extract_strided_slice %add3A_151 {offsets = [0, 1], sizes = [512, 1], strides = [1, 1]} : vector<512x4xf32> to vector<512x1xf32>
    %gt3A = arith.cmpf ogt, %slice3A_155, %slice3A_152 : vector<512x1xf32>
    %select_n3A_156 = arith.select %gt3A, %slice3A_155, %slice3A_152 : vector<512x1xi1>, vector<512x1xf32>
    %jit3A = arith.constant 1.000000e+00 : f32
    %broadcast_in_dim3A_157 = vector.broadcast %jit3A : f32 to vector<512x1xf32>
    %select_n3A_158 = arith.select %gt3A, %broadcast_in_dim3A_157, %broadcast_in_dim3A_154 : vector<512x1xi1>, vector<512x1xf32>
    %slice3A_159 = vector.extract_strided_slice %add3A_151 {offsets = [0, 2], sizes = [512, 1], strides = [1, 1]} : vector<512x4xf32> to vector<512x1xf32>
    %gt3A_160 = arith.cmpf ogt, %slice3A_159, %select_n3A_156 : vector<512x1xf32>
    %select_n3A_161 = arith.select %gt3A_160, %slice3A_159, %select_n3A_156 : vector<512x1xi1>, vector<512x1xf32>
    %jit3A_162 = arith.constant 2.000000e+00 : f32
    %broadcast_in_dim3A_163 = vector.broadcast %jit3A_162 : f32 to vector<512x1xf32>
    %select_n3A_164 = arith.select %gt3A_160, %broadcast_in_dim3A_163, %select_n3A_158 : vector<512x1xi1>, vector<512x1xf32>
    %slice3A_165 = vector.extract_strided_slice %add3A_151 {offsets = [0, 3], sizes = [512, 1], strides = [1, 1]} : vector<512x4xf32> to vector<512x1xf32>
    %gt3A_166 = arith.cmpf ogt, %slice3A_165, %select_n3A_161 : vector<512x1xf32>
    %jit3A_167 = arith.constant 3.000000e+00 : f32
    %broadcast_in_dim3A_168 = vector.broadcast %jit3A_167 : f32 to vector<512x1xf32>
    %select_n3A_169 = arith.select %gt3A_166, %broadcast_in_dim3A_168, %select_n3A_164 : vector<512x1xi1>, vector<512x1xf32>
    %ne3A = arith.constant 0.000000e+00 : f32
    %ne3A_170 = vector.broadcast %ne3A : f32 to vector<512x1xf32>
    %ne3A_171 = arith.cmpf one, %select_n3A_169, %ne3A_170 : vector<512x1xf32>
    %convert_element_type3A = arith.extui %ne3A_171 : vector<512x1xi1> to vector<512x1xi32>
    %convert_element_type3A_172 = arith.sitofp %convert_element_type3A : vector<512x1xi32> to vector<512x1xf32>
    %ne3A_173 = arith.constant 2.000000e+00 : f32
    %ne3A_174 = vector.broadcast %ne3A_173 : f32 to vector<512x1xf32>
    %ne3A_175 = arith.cmpf one, %select_n3A_169, %ne3A_174 : vector<512x1xf32>
    %convert_element_type3A_176 = arith.extui %ne3A_175 : vector<512x1xi1> to vector<512x1xi32>
    %convert_element_type3A_177 = arith.sitofp %convert_element_type3A_176 : vector<512x1xi32> to vector<512x1xf32>
    %ne3A_178 = arith.constant 1.000000e+00 : f32
    %ne3A_179 = vector.broadcast %ne3A_178 : f32 to vector<512x1xf32>
    %ne3A_180 = arith.cmpf one, %select_n3A_169, %ne3A_179 : vector<512x1xf32>
    %convert_element_type3A_181 = arith.extui %ne3A_180 : vector<512x1xi1> to vector<512x1xi32>
    %convert_element_type3A_182 = arith.sitofp %convert_element_type3A_181 : vector<512x1xi32> to vector<512x1xf32>
    %concatenate3A_183 = tpu.concatenate %convert_element_type3A_172, %convert_element_type3A_177, %convert_element_type3A_182 in 1 : vector<512x1xf32>, vector<512x1xf32>, vector<512x1xf32> -> vector<512x3xf32>
    %swap3A = arith.constant 0 : index
    %swap3A_184 = arith.constant 0 : index
    %swap3A_185 = vector.load %arg9[%swap3A, %swap3A_184] : memref<512x3xf32, #tpu.memory_space<vmem>>, vector<512x3xf32>
    tpu.vector_store %arg9[%swap3A, %swap3A_184], %concatenate3A_183 {strides = array<i32>} : memref<512x3xf32, #tpu.memory_space<vmem>>, vector<512x3xf32>,
    %get3A_186 = arith.constant 0 : index
    %get3A_187 = arith.constant 0 : index
    %get3A_188 = vector.load %arg8[%get3A_186, %get3A_187] : memref<512x24xf32, #tpu.memory_space<vmem>>, vector<512x24xf32>
    %slice3A_189 = vector.extract_strided_slice %get3A_188 {offsets = [0, 0], sizes = [512, 8], strides = [1, 1]} : vector<512x24xf32> to vector<512x8xf32>
    %slice3A_190 = vector.extract_strided_slice %get3A_188 {offsets = [0, 8], sizes = [512, 8], strides = [1, 1]} : vector<512x24xf32> to vector<512x8xf32>
    %slice3A_191 = vector.extract_strided_slice %get3A_188 {offsets = [0, 16], sizes = [512, 8], strides = [1, 1]} : vector<512x24xf32> to vector<512x8xf32>
    %mul3A_192 = vector.broadcast %convert_element_type3A_172 : vector<512x1xf32> to vector<512x8xf32>
    %mul3A_193 = arith.mulf %mul3A_192, %slice3A_189 : vector<512x8xf32>
    %mul3A_194 = vector.broadcast %convert_element_type3A_177 : vector<512x1xf32> to vector<512x8xf32>
    %mul3A_195 = arith.mulf %mul3A_194, %slice3A_190 : vector<512x8xf32>
    %add3A_196 = arith.addf %mul3A_193, %mul3A_195 : vector<512x8xf32>
    %mul3A_197 = vector.broadcast %convert_element_type3A_182 : vector<512x1xf32> to vector<512x8xf32>
    %mul3A_198 = arith.mulf %mul3A_197, %slice3A_191 : vector<512x8xf32>
    %add3A_199 = arith.addf %add3A_196, %mul3A_198 : vector<512x8xf32>
    %mul3A_200 = vector.broadcast %convert_element_type3A_172 : vector<512x1xf32> to vector<512x8xf32>
    %mul3A_201 = arith.mulf %mul3A_200, %slice3A_189 : vector<512x8xf32>
    %mul3A_202 = arith.mulf %mul3A_201, %slice3A_189 : vector<512x8xf32>
    %mul3A_203 = vector.broadcast %convert_element_type3A_177 : vector<512x1xf32> to vector<512x8xf32>
    %mul3A_204 = arith.mulf %mul3A_203, %slice3A_190 : vector<512x8xf32>
    %mul3A_205 = arith.mulf %mul3A_204, %slice3A_190 : vector<512x8xf32>
    %add3A_206 = arith.addf %mul3A_202, %mul3A_205 : vector<512x8xf32>
    %mul3A_207 = vector.broadcast %convert_element_type3A_182 : vector<512x1xf32> to vector<512x8xf32>
    %mul3A_208 = arith.mulf %mul3A_207, %slice3A_191 : vector<512x8xf32>
    %mul3A_209 = arith.mulf %mul3A_208, %slice3A_191 : vector<512x8xf32>
    %add3A_210 = arith.addf %add3A_206, %mul3A_209 : vector<512x8xf32>
    %reduce_sum3A_211 = arith.constant dense<0.000000e+00> : vector<8xf32>
    %reduce_sum3A_212 = vector.multi_reduction <add>, %add3A_199, %reduce_sum3A_211 [0] : vector<512x8xf32> to vector<8xf32>
    %broadcast_in_dim3A_213 = vector.shape_cast %reduce_sum3A_212 : vector<8xf32> to vector<1x8xf32>
    %reduce_sum3A_214 = arith.constant dense<0.000000e+00> : vector<8xf32>
    %reduce_sum3A_215 = vector.multi_reduction <add>, %add3A_210, %reduce_sum3A_214 [0] : vector<512x8xf32> to vector<8xf32>
    %broadcast_in_dim3A_216 = vector.shape_cast %reduce_sum3A_215 : vector<8xf32> to vector<1x8xf32>
    %reduce_sum3A_217 = arith.constant dense<0.000000e+00> : vector<3xf32>
    %reduce_sum3A_218 = vector.multi_reduction <add>, %concatenate3A_183, %reduce_sum3A_217 [0] : vector<512x3xf32> to vector<3xf32>
    %broadcast_in_dim3A_219 = vector.shape_cast %reduce_sum3A_218 : vector<3xf32> to vector<1x3xf32>
    %reduce_sum3A_220 = arith.constant dense<0.000000e+00> : vector<1xf32>
    %reduce_sum3A_221 = vector.multi_reduction <add>, %broadcast_in_dim3A_219, %reduce_sum3A_220 [1] : vector<1x3xf32> to vector<1xf32>
    %broadcast_in_dim3A_222 = vector.shape_cast %reduce_sum3A_221 : vector<1xf32> to vector<1x1xf32>
    %broadcast_in_dim3A_223 = arith.constant 0.000000e+00 : f32
    %broadcast_in_dim3A_224 = vector.broadcast %broadcast_in_dim3A_223 : f32 to vector<1x7xf32>
    %concatenate3A_225 = tpu.concatenate %broadcast_in_dim3A_213, %broadcast_in_dim3A_222, %broadcast_in_dim3A_224 in 1 : vector<1x8xf32>, vector<1x1xf32>, vector<1x7xf32> -> vector<1x16xf32>
    %broadcast_in_dim3A_226 = arith.constant 0.000000e+00 : f32
    %broadcast_in_dim3A_227 = vector.broadcast %broadcast_in_dim3A_226 : f32 to vector<1x8xf32>
    %concatenate3A_228 = tpu.concatenate %broadcast_in_dim3A_216, %broadcast_in_dim3A_227 in 1 : vector<1x8xf32>, vector<1x8xf32> -> vector<1x16xf32>
    %concatenate3A_229 = tpu.concatenate %concatenate3A_225, %concatenate3A_228 in 0 : vector<1x16xf32>, vector<1x16xf32> -> vector<2x16xf32>
    %eq3A = arith.constant 0 : i32
    %eq3A_230 = arith.cmpi eq, %arg0, %eq3A : i32
    %convert_element_type3A_231 = arith.extui %eq3A_230 : i1 to i32
    %cond3A = arith.constant 0 : i32
    %cond3A_232 = arith.cmpi ne, %convert_element_type3A_231, %cond3A : i32
    scf.if %cond3A_232 {
      %broadcast_in_dim3A_240 = arith.constant 0.000000e+00 : f32
      %broadcast_in_dim3A_241 = vector.broadcast %broadcast_in_dim3A_240 : f32 to vector<2x16xf32>
      %swap3A_242 = arith.constant 0 : index
      %swap3A_243 = arith.constant 0 : index
      %swap3A_244 = vector.load %arg10[%swap3A_242, %swap3A_243] : memref<2x16xf32, #tpu.memory_space<vmem>>, vector<2x16xf32>
      tpu.vector_store %arg10[%swap3A_242, %swap3A_243], %broadcast_in_dim3A_241 {strides = array<i32>} : memref<2x16xf32, #tpu.memory_space<vmem>>, vector<2x16xf32>,
    } else {
    }
    %get3A_233 = arith.constant 0 : index
    %get3A_234 = arith.constant 0 : index
    %get3A_235 = vector.load %arg10[%get3A_233, %get3A_234] : memref<2x16xf32, #tpu.memory_space<vmem>>, vector<2x16xf32>
    %add3A_236 = arith.addf %get3A_235, %concatenate3A_229 : vector<2x16xf32>
    %swap3A_237 = arith.constant 0 : index
    %swap3A_238 = arith.constant 0 : index
    %swap3A_239 = vector.load %arg10[%swap3A_237, %swap3A_238] : memref<2x16xf32, #tpu.memory_space<vmem>>, vector<2x16xf32>
    tpu.vector_store %arg10[%swap3A_237, %swap3A_238], %add3A_236 {strides = array<i32>} : memref<2x16xf32, #tpu.memory_space<vmem>>, vector<2x16xf32>,
    return
  }
  func.func @transform_0(%arg0: i32) -> (i32, i32) {
    %c0_i32 = arith.constant 0 : i32
    %c0_i32_0 = arith.constant 0 : i32
    return %arg0, %c0_i32 : i32, i32
  }
  func.func @transform_1(%arg0: i32) -> (i32, i32) {
    %c0_i32 = arith.constant 0 : i32
    %c0_i32_0 = arith.constant 0 : i32
    %c0_i32_1 = arith.constant 0 : i32
    return %c0_i32, %c0_i32_0 : i32, i32
  }
  func.func @transform_2(%arg0: i32) -> (i32, i32) {
    %c0_i32 = arith.constant 0 : i32
    %c0_i32_0 = arith.constant 0 : i32
    %c0_i32_1 = arith.constant 0 : i32
    return %c0_i32, %c0_i32_0 : i32, i32
  }
  func.func @transform_3(%arg0: i32) -> (i32, i32) {
    %c0_i32 = arith.constant 0 : i32
    %c0_i32_0 = arith.constant 0 : i32
    %c0_i32_1 = arith.constant 0 : i32
    return %c0_i32, %c0_i32_0 : i32, i32
  }
  func.func @transform_4(%arg0: i32) -> (i32, i32) {
    %c0_i32 = arith.constant 0 : i32
    %c0_i32_0 = arith.constant 0 : i32
    %c0_i32_1 = arith.constant 0 : i32
    return %c0_i32, %c0_i32_0 : i32, i32
  }
  func.func @transform_5(%arg0: i32) -> (i32, i32) {
    %c0_i32 = arith.constant 0 : i32
    %c0_i32_0 = arith.constant 0 : i32
    %c0_i32_1 = arith.constant 0 : i32
    return %c0_i32, %c0_i32_0 : i32, i32
  }
  func.func @transform_6(%arg0: i32) -> (i32, i32) {
    %c0_i32 = arith.constant 0 : i32
    %c0_i32_0 = arith.constant 0 : i32
    return %arg0, %c0_i32 : i32, i32
  }
  func.func @transform_7(%arg0: i32) -> (i32, i32) {
    %c0_i32 = arith.constant 0 : i32
    %c0_i32_0 = arith.constant 0 : i32
    return %arg0, %c0_i32 : i32, i32
  }
  func.func @transform_8(%arg0: i32) -> (i32, i32) {
    %c0_i32 = arith.constant 0 : i32
    %c0_i32_0 = arith.constant 0 : i32
    return %arg0, %c0_i32 : i32, i32
  }
  func.func @transform_9(%arg0: i32) -> (i32, i32) {
    %c0_i32 = arith.constant 0 : i32
    %c0_i32_0 = arith.constant 0 : i32
    %c0_i32_1 = arith.constant 0 : i32
    return %c0_i32, %c0_i32_0 : i32, i32
  }
}

module attributes {stable_mosaic.version = 14 : i64} {
  func.func @_k2(%arg0: i32, %arg1: memref<512x768xf32, #tpu.memory_space<vmem>>, %arg2: memref<2x256xf32, #tpu.memory_space<vmem>>, %arg3: memref<1x256xf32, #tpu.memory_space<vmem>>, %arg4: memref<1x256xf32, #tpu.memory_space<vmem>>, %arg5: memref<512x256xf32, #tpu.memory_space<vmem>>, %arg6: memref<1x256xf32, #tpu.memory_space<vmem>>, %arg7: memref<512x8xf32, #tpu.memory_space<vmem>>, %arg8: memref<1x8xf32, #tpu.memory_space<vmem>>, %arg9: memref<512x768xf32, #tpu.memory_space<vmem>>, %arg10: memref<512x24xf32, #tpu.memory_space<vmem>>, %arg11: memref<2x768xf32, #tpu.memory_space<vmem>>) attributes {dimension_semantics = [#tpu.dimension_semantics<arbitrary>], iteration_bounds = array<i64: 32>, scalar_prefetch = 0 : i64, scratch_operands = 0 : i64, tpu.core_type = #tpu.core_type<tc>, window_params = [{transform_indices = @transform_0, window_bounds = array<i64: 512, 768>}, {pipeline_mode = #tpu.pipeline_mode<synchronous>, transform_indices = @transform_1, window_bounds = array<i64: 2, 256>}, {pipeline_mode = #tpu.pipeline_mode<synchronous>, transform_indices = @transform_2, window_bounds = array<i64: 1, 256>}, {pipeline_mode = #tpu.pipeline_mode<synchronous>, transform_indices = @transform_3, window_bounds = array<i64: 1, 256>}, {pipeline_mode = #tpu.pipeline_mode<synchronous>, transform_indices = @transform_4, window_bounds = array<i64: 512, 256>}, {pipeline_mode = #tpu.pipeline_mode<synchronous>, transform_indices = @transform_5, window_bounds = array<i64: 1, 256>}, {pipeline_mode = #tpu.pipeline_mode<synchronous>, transform_indices = @transform_6, window_bounds = array<i64: 512, 8>}, {pipeline_mode = #tpu.pipeline_mode<synchronous>, transform_indices = @transform_7, window_bounds = array<i64: 1, 8>}, {transform_indices = @transform_8, window_bounds = array<i64: 512, 768>}, {transform_indices = @transform_9, window_bounds = array<i64: 512, 24>}, {pipeline_mode = #tpu.pipeline_mode<synchronous>, transform_indices = @transform_10, window_bounds = array<i64: 2, 768>}]} {
    %get3A = arith.constant 0 : index
    %get3A_0 = arith.constant 0 : index
    %get3A_1 = vector.load %arg1[%get3A, %get3A_0] : memref<512x768xf32, #tpu.memory_space<vmem>>, vector<512x768xf32>
    %get3A_2 = arith.constant 0 : index
    %get3A_3 = arith.constant 0 : index
    %get3A_4 = vector.load %arg2[%get3A_2, %get3A_3] : memref<2x256xf32, #tpu.memory_space<vmem>>, vector<2x256xf32>
    %get3A_5 = arith.constant 0 : index
    %get3A_6 = arith.constant 0 : index
    %get3A_7 = vector.load %arg3[%get3A_5, %get3A_6] : memref<1x256xf32, #tpu.memory_space<vmem>>, vector<1x256xf32>
    %get3A_8 = arith.constant 0 : index
    %get3A_9 = arith.constant 0 : index
    %get3A_10 = vector.load %arg4[%get3A_8, %get3A_9] : memref<1x256xf32, #tpu.memory_space<vmem>>, vector<1x256xf32>
    %slice3A = vector.extract_strided_slice %get3A_4 {offsets = [0, 0], sizes = [1, 256], strides = [1, 1]} : vector<2x256xf32> to vector<1x256xf32>
    %div3A = arith.constant 4.915200e+04 : f32
    %div3A_11 = vector.broadcast %div3A : f32 to vector<1x256xf32>
    %div3A_12 = arith.divf %slice3A, %div3A_11 : vector<1x256xf32>
    %slice3A_13 = vector.extract_strided_slice %get3A_4 {offsets = [1, 0], sizes = [1, 256], strides = [1, 1]} : vector<2x256xf32> to vector<1x256xf32>
    %div3A_14 = arith.constant 4.915200e+04 : f32
    %div3A_15 = vector.broadcast %div3A_14 : f32 to vector<1x256xf32>
    %div3A_16 = arith.divf %slice3A_13, %div3A_15 : vector<1x256xf32>
    %mul3A = arith.mulf %div3A_12, %div3A_12 : vector<1x256xf32>
    %sub3A = arith.subf %div3A_16, %mul3A : vector<1x256xf32>
    %add3A = arith.constant 9.99999974E-6 : f32
    %add3A_17 = vector.broadcast %add3A : f32 to vector<1x256xf32>
    %add3A_18 = arith.addf %sub3A, %add3A_17 : vector<1x256xf32>
    %rsqrt3A = math.rsqrt %add3A_18 : vector<1x256xf32>
    %slice3A_19 = vector.extract_strided_slice %get3A_1 {offsets = [0, 0], sizes = [512, 256], strides = [1, 1]} : vector<512x768xf32> to vector<512x256xf32>
    %sub3A_20 = vector.broadcast %div3A_12 : vector<1x256xf32> to vector<512x256xf32>
    %sub3A_21 = arith.subf %slice3A_19, %sub3A_20 : vector<512x256xf32>
    %mul3A_22 = vector.broadcast %get3A_7 : vector<1x256xf32> to vector<512x256xf32>
    %mul3A_23 = arith.mulf %mul3A_22, %sub3A_21 : vector<512x256xf32>
    %mul3A_24 = vector.broadcast %rsqrt3A : vector<1x256xf32> to vector<512x256xf32>
    %mul3A_25 = arith.mulf %mul3A_23, %mul3A_24 : vector<512x256xf32>
    %add3A_26 = vector.broadcast %get3A_10 : vector<1x256xf32> to vector<512x256xf32>
    %add3A_27 = arith.addf %mul3A_25, %add3A_26 : vector<512x256xf32>
    %ge3A = arith.constant 0.000000e+00 : f32
    %ge3A_28 = vector.broadcast %ge3A : f32 to vector<512x256xf32>
    %ge3A_29 = arith.cmpf oge, %add3A_27, %ge3A_28 : vector<512x256xf32>
    %mul3A_30 = arith.constant 5.000000e-02 : f32
    %mul3A_31 = vector.broadcast %mul3A_30 : f32 to vector<512x256xf32>
    %mul3A_32 = arith.mulf %mul3A_31, %add3A_27 : vector<512x256xf32>
    %select_n3A = arith.select %ge3A_29, %add3A_27, %mul3A_32 : vector<512x256xi1>, vector<512x256xf32>
    %slice3A_33 = vector.extract_strided_slice %get3A_1 {offsets = [0, 256], sizes = [512, 256], strides = [1, 1]} : vector<512x768xf32> to vector<512x256xf32>
    %sub3A_34 = vector.broadcast %div3A_12 : vector<1x256xf32> to vector<512x256xf32>
    %sub3A_35 = arith.subf %slice3A_33, %sub3A_34 : vector<512x256xf32>
    %mul3A_36 = vector.broadcast %get3A_7 : vector<1x256xf32> to vector<512x256xf32>
    %mul3A_37 = arith.mulf %mul3A_36, %sub3A_35 : vector<512x256xf32>
    %mul3A_38 = vector.broadcast %rsqrt3A : vector<1x256xf32> to vector<512x256xf32>
    %mul3A_39 = arith.mulf %mul3A_37, %mul3A_38 : vector<512x256xf32>
    %add3A_40 = vector.broadcast %get3A_10 : vector<1x256xf32> to vector<512x256xf32>
    %add3A_41 = arith.addf %mul3A_39, %add3A_40 : vector<512x256xf32>
    %ge3A_42 = arith.constant 0.000000e+00 : f32
    %ge3A_43 = vector.broadcast %ge3A_42 : f32 to vector<512x256xf32>
    %ge3A_44 = arith.cmpf oge, %add3A_41, %ge3A_43 : vector<512x256xf32>
    %mul3A_45 = arith.constant 5.000000e-02 : f32
    %mul3A_46 = vector.broadcast %mul3A_45 : f32 to vector<512x256xf32>
    %mul3A_47 = arith.mulf %mul3A_46, %add3A_41 : vector<512x256xf32>
    %select_n3A_48 = arith.select %ge3A_44, %add3A_41, %mul3A_47 : vector<512x256xi1>, vector<512x256xf32>
    %slice3A_49 = vector.extract_strided_slice %get3A_1 {offsets = [0, 512], sizes = [512, 256], strides = [1, 1]} : vector<512x768xf32> to vector<512x256xf32>
    %sub3A_50 = vector.broadcast %div3A_12 : vector<1x256xf32> to vector<512x256xf32>
    %sub3A_51 = arith.subf %slice3A_49, %sub3A_50 : vector<512x256xf32>
    %mul3A_52 = vector.broadcast %get3A_7 : vector<1x256xf32> to vector<512x256xf32>
    %mul3A_53 = arith.mulf %mul3A_52, %sub3A_51 : vector<512x256xf32>
    %mul3A_54 = vector.broadcast %rsqrt3A : vector<1x256xf32> to vector<512x256xf32>
    %mul3A_55 = arith.mulf %mul3A_53, %mul3A_54 : vector<512x256xf32>
    %add3A_56 = vector.broadcast %get3A_10 : vector<1x256xf32> to vector<512x256xf32>
    %add3A_57 = arith.addf %mul3A_55, %add3A_56 : vector<512x256xf32>
    %ge3A_58 = arith.constant 0.000000e+00 : f32
    %ge3A_59 = vector.broadcast %ge3A_58 : f32 to vector<512x256xf32>
    %ge3A_60 = arith.cmpf oge, %add3A_57, %ge3A_59 : vector<512x256xf32>
    %mul3A_61 = arith.constant 5.000000e-02 : f32
    %mul3A_62 = vector.broadcast %mul3A_61 : f32 to vector<512x256xf32>
    %mul3A_63 = arith.mulf %mul3A_62, %add3A_57 : vector<512x256xf32>
    %select_n3A_64 = arith.select %ge3A_60, %add3A_57, %mul3A_63 : vector<512x256xi1>, vector<512x256xf32>
    %get3A_65 = arith.constant 0 : index
    %get3A_66 = arith.constant 0 : index
    %get3A_67 = vector.load %arg5[%get3A_65, %get3A_66] : memref<512x256xf32, #tpu.memory_space<vmem>>, vector<256x256xf32>
    %get3A_68 = arith.constant 256 : index
    %get3A_69 = arith.constant 0 : index
    %get3A_70 = vector.load %arg5[%get3A_68, %get3A_69] : memref<512x256xf32, #tpu.memory_space<vmem>>, vector<256x256xf32>
    %dot_general3A = arith.constant dense<0.000000e+00> : vector<512x256xf32>
    %dot_general3A_71 = tpu.matmul %select_n3A, %get3A_67, %dot_general3A {dimension_numbers = #tpu.dot_dimension_numbers<[1], [0], [0], [1], [0, 0, 1, 1], [], []>, transpose_lhs_hint = false} : vector<512x256xf32>, vector<256x256xf32>, vector<512x256xf32> -> vector<512x256xf32>
    %dot_general3A_72 = arith.constant dense<0.000000e+00> : vector<512x256xf32>
    %dot_general3A_73 = tpu.matmul %select_n3A_48, %get3A_67, %dot_general3A_72 {dimension_numbers = #tpu.dot_dimension_numbers<[1], [0], [0], [1], [0, 0, 1, 1], [], []>, transpose_lhs_hint = false} : vector<512x256xf32>, vector<256x256xf32>, vector<512x256xf32> -> vector<512x256xf32>
    %dot_general3A_74 = arith.constant dense<0.000000e+00> : vector<512x256xf32>
    %dot_general3A_75 = tpu.matmul %select_n3A_48, %get3A_70, %dot_general3A_74 {dimension_numbers = #tpu.dot_dimension_numbers<[1], [0], [0], [1], [0, 0, 1, 1], [], []>, transpose_lhs_hint = false} : vector<512x256xf32>, vector<256x256xf32>, vector<512x256xf32> -> vector<512x256xf32>
    %dot_general3A_76 = arith.constant dense<0.000000e+00> : vector<512x256xf32>
    %dot_general3A_77 = tpu.matmul %select_n3A_64, %get3A_70, %dot_general3A_76 {dimension_numbers = #tpu.dot_dimension_numbers<[1], [0], [0], [1], [0, 0, 1, 1], [], []>, transpose_lhs_hint = false} : vector<512x256xf32>, vector<256x256xf32>, vector<512x256xf32> -> vector<512x256xf32>
    %get3A_78 = arith.constant 0 : index
    %get3A_79 = arith.constant 0 : index
    %get3A_80 = vector.load %arg6[%get3A_78, %get3A_79] : memref<1x256xf32, #tpu.memory_space<vmem>>, vector<1x256xf32>
    %add3A_81 = arith.addf %dot_general3A_71, %dot_general3A_75 : vector<512x256xf32>
    %add3A_82 = vector.broadcast %get3A_80 : vector<1x256xf32> to vector<512x256xf32>
    %add3A_83 = arith.addf %add3A_81, %add3A_82 : vector<512x256xf32>
    %add3A_84 = arith.addf %dot_general3A_73, %dot_general3A_77 : vector<512x256xf32>
    %add3A_85 = vector.broadcast %get3A_80 : vector<1x256xf32> to vector<512x256xf32>
    %add3A_86 = arith.addf %add3A_84, %add3A_85 : vector<512x256xf32>
    %add3A_87 = arith.addf %dot_general3A_71, %dot_general3A_77 : vector<512x256xf32>
    %add3A_88 = vector.broadcast %get3A_80 : vector<1x256xf32> to vector<512x256xf32>
    %add3A_89 = arith.addf %add3A_87, %add3A_88 : vector<512x256xf32>
    %concatenate3A = tpu.concatenate %add3A_83, %add3A_86, %add3A_89 in 1 : vector<512x256xf32>, vector<512x256xf32>, vector<512x256xf32> -> vector<512x768xf32>
    %swap3A = arith.constant 0 : index
    %swap3A_90 = arith.constant 0 : index
    %swap3A_91 = vector.load %arg9[%swap3A, %swap3A_90] : memref<512x768xf32, #tpu.memory_space<vmem>>, vector<512x768xf32>
    tpu.vector_store %arg9[%swap3A, %swap3A_90], %concatenate3A {strides = array<i32>} : memref<512x768xf32, #tpu.memory_space<vmem>>, vector<512x768xf32>,
    %get3A_92 = arith.constant 0 : index
    %get3A_93 = arith.constant 0 : index
    %get3A_94 = vector.load %arg7[%get3A_92, %get3A_93] : memref<512x8xf32, #tpu.memory_space<vmem>>, vector<256x8xf32>
    %get3A_95 = arith.constant 256 : index
    %get3A_96 = arith.constant 0 : index
    %get3A_97 = vector.load %arg7[%get3A_95, %get3A_96] : memref<512x8xf32, #tpu.memory_space<vmem>>, vector<256x8xf32>
    %dot_general3A_98 = arith.constant dense<0.000000e+00> : vector<512x8xf32>
    %dot_general3A_99 = tpu.matmul %select_n3A, %get3A_94, %dot_general3A_98 {dimension_numbers = #tpu.dot_dimension_numbers<[1], [0], [0], [1], [0, 0, 1, 1], [], []>, transpose_lhs_hint = false} : vector<512x256xf32>, vector<256x8xf32>, vector<512x8xf32> -> vector<512x8xf32>
    %dot_general3A_100 = arith.constant dense<0.000000e+00> : vector<512x8xf32>
    %dot_general3A_101 = tpu.matmul %select_n3A_48, %get3A_94, %dot_general3A_100 {dimension_numbers = #tpu.dot_dimension_numbers<[1], [0], [0], [1], [0, 0, 1, 1], [], []>, transpose_lhs_hint = false} : vector<512x256xf32>, vector<256x8xf32>, vector<512x8xf32> -> vector<512x8xf32>
    %dot_general3A_102 = arith.constant dense<0.000000e+00> : vector<512x8xf32>
    %dot_general3A_103 = tpu.matmul %select_n3A_48, %get3A_97, %dot_general3A_102 {dimension_numbers = #tpu.dot_dimension_numbers<[1], [0], [0], [1], [0, 0, 1, 1], [], []>, transpose_lhs_hint = false} : vector<512x256xf32>, vector<256x8xf32>, vector<512x8xf32> -> vector<512x8xf32>
    %dot_general3A_104 = arith.constant dense<0.000000e+00> : vector<512x8xf32>
    %dot_general3A_105 = tpu.matmul %select_n3A_64, %get3A_97, %dot_general3A_104 {dimension_numbers = #tpu.dot_dimension_numbers<[1], [0], [0], [1], [0, 0, 1, 1], [], []>, transpose_lhs_hint = false} : vector<512x256xf32>, vector<256x8xf32>, vector<512x8xf32> -> vector<512x8xf32>
    %get3A_106 = arith.constant 0 : index
    %get3A_107 = arith.constant 0 : index
    %get3A_108 = vector.load %arg8[%get3A_106, %get3A_107] : memref<1x8xf32, #tpu.memory_space<vmem>>, vector<1x8xf32>
    %add3A_109 = arith.addf %dot_general3A_99, %dot_general3A_103 : vector<512x8xf32>
    %add3A_110 = vector.broadcast %get3A_108 : vector<1x8xf32> to vector<512x8xf32>
    %add3A_111 = arith.addf %add3A_109, %add3A_110 : vector<512x8xf32>
    %add3A_112 = arith.addf %dot_general3A_99, %dot_general3A_105 : vector<512x8xf32>
    %add3A_113 = vector.broadcast %get3A_108 : vector<1x8xf32> to vector<512x8xf32>
    %add3A_114 = arith.addf %add3A_112, %add3A_113 : vector<512x8xf32>
    %add3A_115 = arith.addf %dot_general3A_101, %dot_general3A_105 : vector<512x8xf32>
    %add3A_116 = vector.broadcast %get3A_108 : vector<1x8xf32> to vector<512x8xf32>
    %add3A_117 = arith.addf %add3A_115, %add3A_116 : vector<512x8xf32>
    %concatenate3A_118 = tpu.concatenate %add3A_111, %add3A_114, %add3A_117 in 1 : vector<512x8xf32>, vector<512x8xf32>, vector<512x8xf32> -> vector<512x24xf32>
    %swap3A_119 = arith.constant 0 : index
    %swap3A_120 = arith.constant 0 : index
    %swap3A_121 = vector.load %arg10[%swap3A_119, %swap3A_120] : memref<512x24xf32, #tpu.memory_space<vmem>>, vector<512x24xf32>
    tpu.vector_store %arg10[%swap3A_119, %swap3A_120], %concatenate3A_118 {strides = array<i32>} : memref<512x24xf32, #tpu.memory_space<vmem>>, vector<512x24xf32>,
    %reduce_sum3A = arith.constant dense<0.000000e+00> : vector<768xf32>
    %reduce_sum3A_122 = vector.multi_reduction <add>, %concatenate3A, %reduce_sum3A [0] : vector<512x768xf32> to vector<768xf32>
    %broadcast_in_dim3A = vector.shape_cast %reduce_sum3A_122 : vector<768xf32> to vector<1x768xf32>
    %mul3A_123 = arith.mulf %concatenate3A, %concatenate3A : vector<512x768xf32>
    %reduce_sum3A_124 = arith.constant dense<0.000000e+00> : vector<768xf32>
    %reduce_sum3A_125 = vector.multi_reduction <add>, %mul3A_123, %reduce_sum3A_124 [0] : vector<512x768xf32> to vector<768xf32>
    %broadcast_in_dim3A_126 = vector.shape_cast %reduce_sum3A_125 : vector<768xf32> to vector<1x768xf32>
    %concatenate3A_127 = tpu.concatenate %broadcast_in_dim3A, %broadcast_in_dim3A_126 in 0 : vector<1x768xf32>, vector<1x768xf32> -> vector<2x768xf32>
    %eq3A = arith.constant 0 : i32
    %eq3A_128 = arith.cmpi eq, %arg0, %eq3A : i32
    %convert_element_type3A = arith.extui %eq3A_128 : i1 to i32
    %cond3A = arith.constant 0 : i32
    %cond3A_129 = arith.cmpi ne, %convert_element_type3A, %cond3A : i32
    scf.if %cond3A_129 {
      %broadcast_in_dim3A_137 = arith.constant 0.000000e+00 : f32
      %broadcast_in_dim3A_138 = vector.broadcast %broadcast_in_dim3A_137 : f32 to vector<2x768xf32>
      %swap3A_139 = arith.constant 0 : index
      %swap3A_140 = arith.constant 0 : index
      %swap3A_141 = vector.load %arg11[%swap3A_139, %swap3A_140] : memref<2x768xf32, #tpu.memory_space<vmem>>, vector<2x768xf32>
      tpu.vector_store %arg11[%swap3A_139, %swap3A_140], %broadcast_in_dim3A_138 {strides = array<i32>} : memref<2x768xf32, #tpu.memory_space<vmem>>, vector<2x768xf32>,
    } else {
    }
    %get3A_130 = arith.constant 0 : index
    %get3A_131 = arith.constant 0 : index
    %get3A_132 = vector.load %arg11[%get3A_130, %get3A_131] : memref<2x768xf32, #tpu.memory_space<vmem>>, vector<2x768xf32>
    %add3A_133 = arith.addf %get3A_132, %concatenate3A_127 : vector<2x768xf32>
    %swap3A_134 = arith.constant 0 : index
    %swap3A_135 = arith.constant 0 : index
    %swap3A_136 = vector.load %arg11[%swap3A_134, %swap3A_135] : memref<2x768xf32, #tpu.memory_space<vmem>>, vector<2x768xf32>
    tpu.vector_store %arg11[%swap3A_134, %swap3A_135], %add3A_133 {strides = array<i32>} : memref<2x768xf32, #tpu.memory_space<vmem>>, vector<2x768xf32>,
    return
  }
  func.func @transform_0(%arg0: i32) -> (i32, i32) {
    %c0_i32 = arith.constant 0 : i32
    %c0_i32_0 = arith.constant 0 : i32
    return %arg0, %c0_i32 : i32, i32
  }
  func.func @transform_1(%arg0: i32) -> (i32, i32) {
    %c0_i32 = arith.constant 0 : i32
    %c0_i32_0 = arith.constant 0 : i32
    %c0_i32_1 = arith.constant 0 : i32
    return %c0_i32, %c0_i32_0 : i32, i32
  }
  func.func @transform_2(%arg0: i32) -> (i32, i32) {
    %c0_i32 = arith.constant 0 : i32
    %c0_i32_0 = arith.constant 0 : i32
    %c0_i32_1 = arith.constant 0 : i32
    return %c0_i32, %c0_i32_0 : i32, i32
  }
  func.func @transform_3(%arg0: i32) -> (i32, i32) {
    %c0_i32 = arith.constant 0 : i32
    %c0_i32_0 = arith.constant 0 : i32
    %c0_i32_1 = arith.constant 0 : i32
    return %c0_i32, %c0_i32_0 : i32, i32
  }
  func.func @transform_4(%arg0: i32) -> (i32, i32) {
    %c0_i32 = arith.constant 0 : i32
    %c0_i32_0 = arith.constant 0 : i32
    %c0_i32_1 = arith.constant 0 : i32
    return %c0_i32, %c0_i32_0 : i32, i32
  }
  func.func @transform_5(%arg0: i32) -> (i32, i32) {
    %c0_i32 = arith.constant 0 : i32
    %c0_i32_0 = arith.constant 0 : i32
    %c0_i32_1 = arith.constant 0 : i32
    return %c0_i32, %c0_i32_0 : i32, i32
  }
  func.func @transform_6(%arg0: i32) -> (i32, i32) {
    %c0_i32 = arith.constant 0 : i32
    %c0_i32_0 = arith.constant 0 : i32
    %c0_i32_1 = arith.constant 0 : i32
    return %c0_i32, %c0_i32_0 : i32, i32
  }
  func.func @transform_7(%arg0: i32) -> (i32, i32) {
    %c0_i32 = arith.constant 0 : i32
    %c0_i32_0 = arith.constant 0 : i32
    %c0_i32_1 = arith.constant 0 : i32
    return %c0_i32, %c0_i32_0 : i32, i32
  }
  func.func @transform_8(%arg0: i32) -> (i32, i32) {
    %c0_i32 = arith.constant 0 : i32
    %c0_i32_0 = arith.constant 0 : i32
    return %arg0, %c0_i32 : i32, i32
  }
  func.func @transform_9(%arg0: i32) -> (i32, i32) {
    %c0_i32 = arith.constant 0 : i32
    %c0_i32_0 = arith.constant 0 : i32
    return %arg0, %c0_i32 : i32, i32
  }
  func.func @transform_10(%arg0: i32) -> (i32, i32) {
    %c0_i32 = arith.constant 0 : i32
    %c0_i32_0 = arith.constant 0 : i32
    %c0_i32_1 = arith.constant 0 : i32
    return %c0_i32, %c0_i32_0 : i32, i32
  }
}

module attributes {stable_mosaic.version = 14 : i64} {
  func.func @_k1(%arg0: i32, %arg1: memref<512x128xf32, #tpu.memory_space<vmem>>, %arg2: memref<128x768xf32, #tpu.memory_space<vmem>>, %arg3: memref<1x768xf32, #tpu.memory_space<vmem>>, %arg4: memref<512x768xf32, #tpu.memory_space<vmem>>, %arg5: memref<2x256xf32, #tpu.memory_space<vmem>>) attributes {dimension_semantics = [#tpu.dimension_semantics<arbitrary>], iteration_bounds = array<i64: 32>, scalar_prefetch = 0 : i64, scratch_operands = 0 : i64, tpu.core_type = #tpu.core_type<tc>, window_params = [{transform_indices = @transform_0, window_bounds = array<i64: 512, 128>}, {pipeline_mode = #tpu.pipeline_mode<synchronous>, transform_indices = @transform_1, window_bounds = array<i64: 128, 768>}, {pipeline_mode = #tpu.pipeline_mode<synchronous>, transform_indices = @transform_2, window_bounds = array<i64: 1, 768>}, {transform_indices = @transform_3, window_bounds = array<i64: 512, 768>}, {pipeline_mode = #tpu.pipeline_mode<synchronous>, transform_indices = @transform_4, window_bounds = array<i64: 2, 256>}]} {
    %get3A = arith.constant 0 : index
    %get3A_0 = arith.constant 0 : index
    %get3A_1 = vector.load %arg1[%get3A, %get3A_0] : memref<512x128xf32, #tpu.memory_space<vmem>>, vector<512x128xf32>
    %get3A_2 = arith.constant 0 : index
    %get3A_3 = arith.constant 0 : index
    %get3A_4 = vector.load %arg2[%get3A_2, %get3A_3] : memref<128x768xf32, #tpu.memory_space<vmem>>, vector<128x768xf32>
    %dot_general3A = arith.constant dense<0.000000e+00> : vector<512x768xf32>
    %dot_general3A_5 = tpu.matmul %get3A_1, %get3A_4, %dot_general3A {dimension_numbers = #tpu.dot_dimension_numbers<[1], [0], [0], [1], [0, 0, 1, 1], [], []>, transpose_lhs_hint = false} : vector<512x128xf32>, vector<128x768xf32>, vector<512x768xf32> -> vector<512x768xf32>
    %get3A_6 = arith.constant 0 : index
    %get3A_7 = arith.constant 0 : index
    %get3A_8 = vector.load %arg3[%get3A_6, %get3A_7] : memref<1x768xf32, #tpu.memory_space<vmem>>, vector<1x768xf32>
    %add3A = vector.broadcast %get3A_8 : vector<1x768xf32> to vector<512x768xf32>
    %add3A_9 = arith.addf %dot_general3A_5, %add3A : vector<512x768xf32>
    %ge3A = arith.constant 0.000000e+00 : f32
    %ge3A_10 = vector.broadcast %ge3A : f32 to vector<512x768xf32>
    %ge3A_11 = arith.cmpf oge, %add3A_9, %ge3A_10 : vector<512x768xf32>
    %mul3A = arith.constant 5.000000e-02 : f32
    %mul3A_12 = vector.broadcast %mul3A : f32 to vector<512x768xf32>
    %mul3A_13 = arith.mulf %mul3A_12, %add3A_9 : vector<512x768xf32>
    %select_n3A = arith.select %ge3A_11, %add3A_9, %mul3A_13 : vector<512x768xi1>, vector<512x768xf32>
    %swap3A = arith.constant 0 : index
    %swap3A_14 = arith.constant 0 : index
    %swap3A_15 = vector.load %arg4[%swap3A, %swap3A_14] : memref<512x768xf32, #tpu.memory_space<vmem>>, vector<512x768xf32>
    tpu.vector_store %arg4[%swap3A, %swap3A_14], %select_n3A {strides = array<i32>} : memref<512x768xf32, #tpu.memory_space<vmem>>, vector<512x768xf32>,
    %slice3A = vector.extract_strided_slice %select_n3A {offsets = [0, 0], sizes = [512, 256], strides = [1, 1]} : vector<512x768xf32> to vector<512x256xf32>
    %slice3A_16 = vector.extract_strided_slice %select_n3A {offsets = [0, 256], sizes = [512, 256], strides = [1, 1]} : vector<512x768xf32> to vector<512x256xf32>
    %slice3A_17 = vector.extract_strided_slice %select_n3A {offsets = [0, 512], sizes = [512, 256], strides = [1, 1]} : vector<512x768xf32> to vector<512x256xf32>
    %add3A_18 = arith.addf %slice3A, %slice3A_16 : vector<512x256xf32>
    %add3A_19 = arith.addf %add3A_18, %slice3A_17 : vector<512x256xf32>
    %reduce_sum3A = arith.constant dense<0.000000e+00> : vector<256xf32>
    %reduce_sum3A_20 = vector.multi_reduction <add>, %add3A_19, %reduce_sum3A [0] : vector<512x256xf32> to vector<256xf32>
    %broadcast_in_dim3A = vector.shape_cast %reduce_sum3A_20 : vector<256xf32> to vector<1x256xf32>
    %mul3A_21 = arith.mulf %slice3A, %slice3A : vector<512x256xf32>
    %mul3A_22 = arith.mulf %slice3A_16, %slice3A_16 : vector<512x256xf32>
    %add3A_23 = arith.addf %mul3A_21, %mul3A_22 : vector<512x256xf32>
    %mul3A_24 = arith.mulf %slice3A_17, %slice3A_17 : vector<512x256xf32>
    %add3A_25 = arith.addf %add3A_23, %mul3A_24 : vector<512x256xf32>
    %reduce_sum3A_26 = arith.constant dense<0.000000e+00> : vector<256xf32>
    %reduce_sum3A_27 = vector.multi_reduction <add>, %add3A_25, %reduce_sum3A_26 [0] : vector<512x256xf32> to vector<256xf32>
    %broadcast_in_dim3A_28 = vector.shape_cast %reduce_sum3A_27 : vector<256xf32> to vector<1x256xf32>
    %concatenate3A = tpu.concatenate %broadcast_in_dim3A, %broadcast_in_dim3A_28 in 0 : vector<1x256xf32>, vector<1x256xf32> -> vector<2x256xf32>
    %eq3A = arith.constant 0 : i32
    %eq3A_29 = arith.cmpi eq, %arg0, %eq3A : i32
    %convert_element_type3A = arith.extui %eq3A_29 : i1 to i32
    %cond3A = arith.constant 0 : i32
    %cond3A_30 = arith.cmpi ne, %convert_element_type3A, %cond3A : i32
    scf.if %cond3A_30 {
      %broadcast_in_dim3A_38 = arith.constant 0.000000e+00 : f32
      %broadcast_in_dim3A_39 = vector.broadcast %broadcast_in_dim3A_38 : f32 to vector<2x256xf32>
      %swap3A_40 = arith.constant 0 : index
      %swap3A_41 = arith.constant 0 : index
      %swap3A_42 = vector.load %arg5[%swap3A_40, %swap3A_41] : memref<2x256xf32, #tpu.memory_space<vmem>>, vector<2x256xf32>
      tpu.vector_store %arg5[%swap3A_40, %swap3A_41], %broadcast_in_dim3A_39 {strides = array<i32>} : memref<2x256xf32, #tpu.memory_space<vmem>>, vector<2x256xf32>,
    } else {
    }
    %get3A_31 = arith.constant 0 : index
    %get3A_32 = arith.constant 0 : index
    %get3A_33 = vector.load %arg5[%get3A_31, %get3A_32] : memref<2x256xf32, #tpu.memory_space<vmem>>, vector<2x256xf32>
    %add3A_34 = arith.addf %get3A_33, %concatenate3A : vector<2x256xf32>
    %swap3A_35 = arith.constant 0 : index
    %swap3A_36 = arith.constant 0 : index
    %swap3A_37 = vector.load %arg5[%swap3A_35, %swap3A_36] : memref<2x256xf32, #tpu.memory_space<vmem>>, vector<2x256xf32>
    tpu.vector_store %arg5[%swap3A_35, %swap3A_36], %add3A_34 {strides = array<i32>} : memref<2x256xf32, #tpu.memory_space<vmem>>, vector<2x256xf32>,
    return
  }
  func.func @transform_0(%arg0: i32) -> (i32, i32) {
    %c0_i32 = arith.constant 0 : i32
    %c0_i32_0 = arith.constant 0 : i32
    return %arg0, %c0_i32 : i32, i32
  }
  func.func @transform_1(%arg0: i32) -> (i32, i32) {
    %c0_i32 = arith.constant 0 : i32
    %c0_i32_0 = arith.constant 0 : i32
    %c0_i32_1 = arith.constant 0 : i32
    return %c0_i32, %c0_i32_0 : i32, i32
  }
  func.func @transform_2(%arg0: i32) -> (i32, i32) {
    %c0_i32 = arith.constant 0 : i32
    %c0_i32_0 = arith.constant 0 : i32
    %c0_i32_1 = arith.constant 0 : i32
    return %c0_i32, %c0_i32_0 : i32, i32
  }
  func.func @transform_3(%arg0: i32) -> (i32, i32) {
    %c0_i32 = arith.constant 0 : i32
    %c0_i32_0 = arith.constant 0 : i32
    return %arg0, %c0_i32 : i32, i32
  }
  func.func @transform_4(%arg0: i32) -> (i32, i32) {
    %c0_i32 = arith.constant 0 : i32
    %c0_i32_0 = arith.constant 0 : i32
    %c0_i32_1 = arith.constant 0 : i32
    return %c0_i32, %c0_i32_0 : i32, i32
  }
}

module attributes {stable_mosaic.version = 14 : i64} {
  func.func @_k4(%arg0: i32, %arg1: memref<512x768xf32, #tpu.memory_space<vmem>>, %arg2: memref<2x256xf32, #tpu.memory_space<vmem>>, %arg3: memref<1x256xf32, #tpu.memory_space<vmem>>, %arg4: memref<1x256xf32, #tpu.memory_space<vmem>>, %arg5: memref<512x24xf32, #tpu.memory_space<vmem>>, %arg6: memref<512x3xf32, #tpu.memory_space<vmem>>, %arg7: memref<2x16xf32, #tpu.memory_space<vmem>>, %arg8: memref<1x8xf32, #tpu.memory_space<vmem>>, %arg9: memref<1x8xf32, #tpu.memory_space<vmem>>, %arg10: memref<8x8xf32, #tpu.memory_space<vmem>>, %arg11: memref<1x8xf32, #tpu.memory_space<vmem>>, %arg12: memref<512x792xf32, #tpu.memory_space<vmem>>) attributes {dimension_semantics = [#tpu.dimension_semantics<arbitrary>], iteration_bounds = array<i64: 32>, scalar_prefetch = 0 : i64, scratch_operands = 0 : i64, tpu.core_type = #tpu.core_type<tc>, window_params = [{transform_indices = @transform_0, window_bounds = array<i64: 512, 768>}, {pipeline_mode = #tpu.pipeline_mode<synchronous>, transform_indices = @transform_1, window_bounds = array<i64: 2, 256>}, {pipeline_mode = #tpu.pipeline_mode<synchronous>, transform_indices = @transform_2, window_bounds = array<i64: 1, 256>}, {pipeline_mode = #tpu.pipeline_mode<synchronous>, transform_indices = @transform_3, window_bounds = array<i64: 1, 256>}, {transform_indices = @transform_4, window_bounds = array<i64: 512, 24>}, {transform_indices = @transform_5, window_bounds = array<i64: 512, 3>}, {pipeline_mode = #tpu.pipeline_mode<synchronous>, transform_indices = @transform_6, window_bounds = array<i64: 2, 16>}, {pipeline_mode = #tpu.pipeline_mode<synchronous>, transform_indices = @transform_7, window_bounds = array<i64: 1, 8>}, {pipeline_mode = #tpu.pipeline_mode<synchronous>, transform_indices = @transform_8, window_bounds = array<i64: 1, 8>}, {pipeline_mode = #tpu.pipeline_mode<synchronous>, transform_indices = @transform_9, window_bounds = array<i64: 8, 8>}, {pipeline_mode = #tpu.pipeline_mode<synchronous>, transform_indices = @transform_10, window_bounds = array<i64: 1, 8>}, {transform_indices = @transform_11, window_bounds = array<i64: 512, 792>}]} {
    %get3A = arith.constant 0 : index
    %get3A_0 = arith.constant 0 : index
    %get3A_1 = vector.load %arg1[%get3A, %get3A_0] : memref<512x768xf32, #tpu.memory_space<vmem>>, vector<512x768xf32>
    %get3A_2 = arith.constant 0 : index
    %get3A_3 = arith.constant 0 : index
    %get3A_4 = vector.load %arg2[%get3A_2, %get3A_3] : memref<2x256xf32, #tpu.memory_space<vmem>>, vector<2x256xf32>
    %get3A_5 = arith.constant 0 : index
    %get3A_6 = arith.constant 0 : index
    %get3A_7 = vector.load %arg3[%get3A_5, %get3A_6] : memref<1x256xf32, #tpu.memory_space<vmem>>, vector<1x256xf32>
    %get3A_8 = arith.constant 0 : index
    %get3A_9 = arith.constant 0 : index
    %get3A_10 = vector.load %arg4[%get3A_8, %get3A_9] : memref<1x256xf32, #tpu.memory_space<vmem>>, vector<1x256xf32>
    %slice3A = vector.extract_strided_slice %get3A_4 {offsets = [0, 0], sizes = [1, 256], strides = [1, 1]} : vector<2x256xf32> to vector<1x256xf32>
    %div3A = arith.constant 4.915200e+04 : f32
    %div3A_11 = vector.broadcast %div3A : f32 to vector<1x256xf32>
    %div3A_12 = arith.divf %slice3A, %div3A_11 : vector<1x256xf32>
    %slice3A_13 = vector.extract_strided_slice %get3A_4 {offsets = [1, 0], sizes = [1, 256], strides = [1, 1]} : vector<2x256xf32> to vector<1x256xf32>
    %div3A_14 = arith.constant 4.915200e+04 : f32
    %div3A_15 = vector.broadcast %div3A_14 : f32 to vector<1x256xf32>
    %div3A_16 = arith.divf %slice3A_13, %div3A_15 : vector<1x256xf32>
    %mul3A = arith.mulf %div3A_12, %div3A_12 : vector<1x256xf32>
    %sub3A = arith.subf %div3A_16, %mul3A : vector<1x256xf32>
    %add3A = arith.constant 9.99999974E-6 : f32
    %add3A_17 = vector.broadcast %add3A : f32 to vector<1x256xf32>
    %add3A_18 = arith.addf %sub3A, %add3A_17 : vector<1x256xf32>
    %rsqrt3A = math.rsqrt %add3A_18 : vector<1x256xf32>
    %slice3A_19 = vector.extract_strided_slice %get3A_1 {offsets = [0, 0], sizes = [512, 256], strides = [1, 1]} : vector<512x768xf32> to vector<512x256xf32>
    %sub3A_20 = vector.broadcast %div3A_12 : vector<1x256xf32> to vector<512x256xf32>
    %sub3A_21 = arith.subf %slice3A_19, %sub3A_20 : vector<512x256xf32>
    %mul3A_22 = vector.broadcast %get3A_7 : vector<1x256xf32> to vector<512x256xf32>
    %mul3A_23 = arith.mulf %mul3A_22, %sub3A_21 : vector<512x256xf32>
    %mul3A_24 = vector.broadcast %rsqrt3A : vector<1x256xf32> to vector<512x256xf32>
    %mul3A_25 = arith.mulf %mul3A_23, %mul3A_24 : vector<512x256xf32>
    %add3A_26 = vector.broadcast %get3A_10 : vector<1x256xf32> to vector<512x256xf32>
    %add3A_27 = arith.addf %mul3A_25, %add3A_26 : vector<512x256xf32>
    %ge3A = arith.constant 0.000000e+00 : f32
    %ge3A_28 = vector.broadcast %ge3A : f32 to vector<512x256xf32>
    %ge3A_29 = arith.cmpf oge, %add3A_27, %ge3A_28 : vector<512x256xf32>
    %mul3A_30 = arith.constant 5.000000e-02 : f32
    %mul3A_31 = vector.broadcast %mul3A_30 : f32 to vector<512x256xf32>
    %mul3A_32 = arith.mulf %mul3A_31, %add3A_27 : vector<512x256xf32>
    %select_n3A = arith.select %ge3A_29, %add3A_27, %mul3A_32 : vector<512x256xi1>, vector<512x256xf32>
    %slice3A_33 = vector.extract_strided_slice %get3A_1 {offsets = [0, 256], sizes = [512, 256], strides = [1, 1]} : vector<512x768xf32> to vector<512x256xf32>
    %sub3A_34 = vector.broadcast %div3A_12 : vector<1x256xf32> to vector<512x256xf32>
    %sub3A_35 = arith.subf %slice3A_33, %sub3A_34 : vector<512x256xf32>
    %mul3A_36 = vector.broadcast %get3A_7 : vector<1x256xf32> to vector<512x256xf32>
    %mul3A_37 = arith.mulf %mul3A_36, %sub3A_35 : vector<512x256xf32>
    %mul3A_38 = vector.broadcast %rsqrt3A : vector<1x256xf32> to vector<512x256xf32>
    %mul3A_39 = arith.mulf %mul3A_37, %mul3A_38 : vector<512x256xf32>
    %add3A_40 = vector.broadcast %get3A_10 : vector<1x256xf32> to vector<512x256xf32>
    %add3A_41 = arith.addf %mul3A_39, %add3A_40 : vector<512x256xf32>
    %ge3A_42 = arith.constant 0.000000e+00 : f32
    %ge3A_43 = vector.broadcast %ge3A_42 : f32 to vector<512x256xf32>
    %ge3A_44 = arith.cmpf oge, %add3A_41, %ge3A_43 : vector<512x256xf32>
    %mul3A_45 = arith.constant 5.000000e-02 : f32
    %mul3A_46 = vector.broadcast %mul3A_45 : f32 to vector<512x256xf32>
    %mul3A_47 = arith.mulf %mul3A_46, %add3A_41 : vector<512x256xf32>
    %select_n3A_48 = arith.select %ge3A_44, %add3A_41, %mul3A_47 : vector<512x256xi1>, vector<512x256xf32>
    %slice3A_49 = vector.extract_strided_slice %get3A_1 {offsets = [0, 512], sizes = [512, 256], strides = [1, 1]} : vector<512x768xf32> to vector<512x256xf32>
    %sub3A_50 = vector.broadcast %div3A_12 : vector<1x256xf32> to vector<512x256xf32>
    %sub3A_51 = arith.subf %slice3A_49, %sub3A_50 : vector<512x256xf32>
    %mul3A_52 = vector.broadcast %get3A_7 : vector<1x256xf32> to vector<512x256xf32>
    %mul3A_53 = arith.mulf %mul3A_52, %sub3A_51 : vector<512x256xf32>
    %mul3A_54 = vector.broadcast %rsqrt3A : vector<1x256xf32> to vector<512x256xf32>
    %mul3A_55 = arith.mulf %mul3A_53, %mul3A_54 : vector<512x256xf32>
    %add3A_56 = vector.broadcast %get3A_10 : vector<1x256xf32> to vector<512x256xf32>
    %add3A_57 = arith.addf %mul3A_55, %add3A_56 : vector<512x256xf32>
    %ge3A_58 = arith.constant 0.000000e+00 : f32
    %ge3A_59 = vector.broadcast %ge3A_58 : f32 to vector<512x256xf32>
    %ge3A_60 = arith.cmpf oge, %add3A_57, %ge3A_59 : vector<512x256xf32>
    %mul3A_61 = arith.constant 5.000000e-02 : f32
    %mul3A_62 = vector.broadcast %mul3A_61 : f32 to vector<512x256xf32>
    %mul3A_63 = arith.mulf %mul3A_62, %add3A_57 : vector<512x256xf32>
    %select_n3A_64 = arith.select %ge3A_60, %add3A_57, %mul3A_63 : vector<512x256xi1>, vector<512x256xf32>
    %get3A_65 = arith.constant 0 : index
    %get3A_66 = arith.constant 0 : index
    %get3A_67 = vector.load %arg7[%get3A_65, %get3A_66] : memref<2x16xf32, #tpu.memory_space<vmem>>, vector<2x16xf32>
    %slice3A_68 = vector.extract_strided_slice %get3A_67 {offsets = [0, 8], sizes = [1, 1], strides = [1, 1]} : vector<2x16xf32> to vector<1x1xf32>
    %slice3A_69 = vector.extract_strided_slice %get3A_67 {offsets = [0, 0], sizes = [1, 8], strides = [1, 1]} : vector<2x16xf32> to vector<1x8xf32>
    %div3A_70 = vector.broadcast %slice3A_68 : vector<1x1xf32> to vector<1x8xf32>
    %div3A_71 = arith.divf %slice3A_69, %div3A_70 : vector<1x8xf32>
    %slice3A_72 = vector.extract_strided_slice %get3A_67 {offsets = [1, 0], sizes = [1, 8], strides = [1, 1]} : vector<2x16xf32> to vector<1x8xf32>
    %div3A_73 = vector.broadcast %slice3A_68 : vector<1x1xf32> to vector<1x8xf32>
    %div3A_74 = arith.divf %slice3A_72, %div3A_73 : vector<1x8xf32>
    %mul3A_75 = arith.mulf %div3A_71, %div3A_71 : vector<1x8xf32>
    %sub3A_76 = arith.subf %div3A_74, %mul3A_75 : vector<1x8xf32>
    %add3A_77 = arith.constant 9.99999974E-6 : f32
    %add3A_78 = vector.broadcast %add3A_77 : f32 to vector<1x8xf32>
    %add3A_79 = arith.addf %sub3A_76, %add3A_78 : vector<1x8xf32>
    %rsqrt3A_80 = math.rsqrt %add3A_79 : vector<1x8xf32>
    %get3A_81 = arith.constant 0 : index
    %get3A_82 = arith.constant 0 : index
    %get3A_83 = vector.load %arg8[%get3A_81, %get3A_82] : memref<1x8xf32, #tpu.memory_space<vmem>>, vector<1x8xf32>
    %get3A_84 = arith.constant 0 : index
    %get3A_85 = arith.constant 0 : index
    %get3A_86 = vector.load %arg9[%get3A_84, %get3A_85] : memref<1x8xf32, #tpu.memory_space<vmem>>, vector<1x8xf32>
    %get3A_87 = arith.constant 0 : index
    %get3A_88 = arith.constant 0 : index
    %get3A_89 = vector.load %arg10[%get3A_87, %get3A_88] : memref<8x8xf32, #tpu.memory_space<vmem>>, vector<8x8xf32>
    %get3A_90 = arith.constant 0 : index
    %get3A_91 = arith.constant 0 : index
    %get3A_92 = vector.load %arg11[%get3A_90, %get3A_91] : memref<1x8xf32, #tpu.memory_space<vmem>>, vector<1x8xf32>
    %get3A_93 = arith.constant 0 : index
    %get3A_94 = arith.constant 0 : index
    %get3A_95 = vector.load %arg5[%get3A_93, %get3A_94] : memref<512x24xf32, #tpu.memory_space<vmem>>, vector<512x24xf32>
    %get3A_96 = arith.constant 0 : index
    %get3A_97 = arith.constant 0 : index
    %get3A_98 = vector.load %arg6[%get3A_96, %get3A_97] : memref<512x3xf32, #tpu.memory_space<vmem>>, vector<512x3xf32>
    %slice3A_99 = vector.extract_strided_slice %get3A_95 {offsets = [0, 0], sizes = [512, 8], strides = [1, 1]} : vector<512x24xf32> to vector<512x8xf32>
    %sub3A_100 = vector.broadcast %div3A_71 : vector<1x8xf32> to vector<512x8xf32>
    %sub3A_101 = arith.subf %slice3A_99, %sub3A_100 : vector<512x8xf32>
    %mul3A_102 = vector.broadcast %get3A_83 : vector<1x8xf32> to vector<512x8xf32>
    %mul3A_103 = arith.mulf %mul3A_102, %sub3A_101 : vector<512x8xf32>
    %mul3A_104 = vector.broadcast %rsqrt3A_80 : vector<1x8xf32> to vector<512x8xf32>
    %mul3A_105 = arith.mulf %mul3A_103, %mul3A_104 : vector<512x8xf32>
    %add3A_106 = vector.broadcast %get3A_86 : vector<1x8xf32> to vector<512x8xf32>
    %add3A_107 = arith.addf %mul3A_105, %add3A_106 : vector<512x8xf32>
    %ge3A_108 = arith.constant 0.000000e+00 : f32
    %ge3A_109 = vector.broadcast %ge3A_108 : f32 to vector<512x8xf32>
    %ge3A_110 = arith.cmpf oge, %add3A_107, %ge3A_109 : vector<512x8xf32>
    %mul3A_111 = arith.constant 5.000000e-02 : f32
    %mul3A_112 = vector.broadcast %mul3A_111 : f32 to vector<512x8xf32>
    %mul3A_113 = arith.mulf %mul3A_112, %add3A_107 : vector<512x8xf32>
    %select_n3A_114 = arith.select %ge3A_110, %add3A_107, %mul3A_113 : vector<512x8xi1>, vector<512x8xf32>
    %dot_general3A = arith.constant dense<0.000000e+00> : vector<512x8xf32>
    %dot_general3A_115 = tpu.matmul %select_n3A_114, %get3A_89, %dot_general3A {dimension_numbers = #tpu.dot_dimension_numbers<[1], [0], [0], [1], [0, 0, 1, 1], [], []>, transpose_lhs_hint = false} : vector<512x8xf32>, vector<8x8xf32>, vector<512x8xf32> -> vector<512x8xf32>
    %add3A_116 = vector.broadcast %get3A_92 : vector<1x8xf32> to vector<512x8xf32>
    %add3A_117 = arith.addf %dot_general3A_115, %add3A_116 : vector<512x8xf32>
    %ge3A_118 = arith.constant 0.000000e+00 : f32
    %ge3A_119 = vector.broadcast %ge3A_118 : f32 to vector<512x8xf32>
    %ge3A_120 = arith.cmpf oge, %add3A_117, %ge3A_119 : vector<512x8xf32>
    %mul3A_121 = arith.constant 5.000000e-02 : f32
    %mul3A_122 = vector.broadcast %mul3A_121 : f32 to vector<512x8xf32>
    %mul3A_123 = arith.mulf %mul3A_122, %add3A_117 : vector<512x8xf32>
    %select_n3A_124 = arith.select %ge3A_120, %add3A_117, %mul3A_123 : vector<512x8xi1>, vector<512x8xf32>
    %slice3A_125 = vector.extract_strided_slice %get3A_98 {offsets = [0, 0], sizes = [512, 1], strides = [1, 1]} : vector<512x3xf32> to vector<512x1xf32>
    %mul3A_126 = vector.broadcast %slice3A_125 : vector<512x1xf32> to vector<512x8xf32>
    %mul3A_127 = arith.mulf %select_n3A_124, %mul3A_126 : vector<512x8xf32>
    %slice3A_128 = vector.extract_strided_slice %get3A_95 {offsets = [0, 8], sizes = [512, 8], strides = [1, 1]} : vector<512x24xf32> to vector<512x8xf32>
    %sub3A_129 = vector.broadcast %div3A_71 : vector<1x8xf32> to vector<512x8xf32>
    %sub3A_130 = arith.subf %slice3A_128, %sub3A_129 : vector<512x8xf32>
    %mul3A_131 = vector.broadcast %get3A_83 : vector<1x8xf32> to vector<512x8xf32>
    %mul3A_132 = arith.mulf %mul3A_131, %sub3A_130 : vector<512x8xf32>
    %mul3A_133 = vector.broadcast %rsqrt3A_80 : vector<1x8xf32> to vector<512x8xf32>
    %mul3A_134 = arith.mulf %mul3A_132, %mul3A_133 : vector<512x8xf32>
    %add3A_135 = vector.broadcast %get3A_86 : vector<1x8xf32> to vector<512x8xf32>
    %add3A_136 = arith.addf %mul3A_134, %add3A_135 : vector<512x8xf32>
    %ge3A_137 = arith.constant 0.000000e+00 : f32
    %ge3A_138 = vector.broadcast %ge3A_137 : f32 to vector<512x8xf32>
    %ge3A_139 = arith.cmpf oge, %add3A_136, %ge3A_138 : vector<512x8xf32>
    %mul3A_140 = arith.constant 5.000000e-02 : f32
    %mul3A_141 = vector.broadcast %mul3A_140 : f32 to vector<512x8xf32>
    %mul3A_142 = arith.mulf %mul3A_141, %add3A_136 : vector<512x8xf32>
    %select_n3A_143 = arith.select %ge3A_139, %add3A_136, %mul3A_142 : vector<512x8xi1>, vector<512x8xf32>
    %dot_general3A_144 = arith.constant dense<0.000000e+00> : vector<512x8xf32>
    %dot_general3A_145 = tpu.matmul %select_n3A_143, %get3A_89, %dot_general3A_144 {dimension_numbers = #tpu.dot_dimension_numbers<[1], [0], [0], [1], [0, 0, 1, 1], [], []>, transpose_lhs_hint = false} : vector<512x8xf32>, vector<8x8xf32>, vector<512x8xf32> -> vector<512x8xf32>
    %add3A_146 = vector.broadcast %get3A_92 : vector<1x8xf32> to vector<512x8xf32>
    %add3A_147 = arith.addf %dot_general3A_145, %add3A_146 : vector<512x8xf32>
    %ge3A_148 = arith.constant 0.000000e+00 : f32
    %ge3A_149 = vector.broadcast %ge3A_148 : f32 to vector<512x8xf32>
    %ge3A_150 = arith.cmpf oge, %add3A_147, %ge3A_149 : vector<512x8xf32>
    %mul3A_151 = arith.constant 5.000000e-02 : f32
    %mul3A_152 = vector.broadcast %mul3A_151 : f32 to vector<512x8xf32>
    %mul3A_153 = arith.mulf %mul3A_152, %add3A_147 : vector<512x8xf32>
    %select_n3A_154 = arith.select %ge3A_150, %add3A_147, %mul3A_153 : vector<512x8xi1>, vector<512x8xf32>
    %slice3A_155 = vector.extract_strided_slice %get3A_98 {offsets = [0, 1], sizes = [512, 1], strides = [1, 1]} : vector<512x3xf32> to vector<512x1xf32>
    %mul3A_156 = vector.broadcast %slice3A_155 : vector<512x1xf32> to vector<512x8xf32>
    %mul3A_157 = arith.mulf %select_n3A_154, %mul3A_156 : vector<512x8xf32>
    %slice3A_158 = vector.extract_strided_slice %get3A_95 {offsets = [0, 16], sizes = [512, 8], strides = [1, 1]} : vector<512x24xf32> to vector<512x8xf32>
    %sub3A_159 = vector.broadcast %div3A_71 : vector<1x8xf32> to vector<512x8xf32>
    %sub3A_160 = arith.subf %slice3A_158, %sub3A_159 : vector<512x8xf32>
    %mul3A_161 = vector.broadcast %get3A_83 : vector<1x8xf32> to vector<512x8xf32>
    %mul3A_162 = arith.mulf %mul3A_161, %sub3A_160 : vector<512x8xf32>
    %mul3A_163 = vector.broadcast %rsqrt3A_80 : vector<1x8xf32> to vector<512x8xf32>
    %mul3A_164 = arith.mulf %mul3A_162, %mul3A_163 : vector<512x8xf32>
    %add3A_165 = vector.broadcast %get3A_86 : vector<1x8xf32> to vector<512x8xf32>
    %add3A_166 = arith.addf %mul3A_164, %add3A_165 : vector<512x8xf32>
    %ge3A_167 = arith.constant 0.000000e+00 : f32
    %ge3A_168 = vector.broadcast %ge3A_167 : f32 to vector<512x8xf32>
    %ge3A_169 = arith.cmpf oge, %add3A_166, %ge3A_168 : vector<512x8xf32>
    %mul3A_170 = arith.constant 5.000000e-02 : f32
    %mul3A_171 = vector.broadcast %mul3A_170 : f32 to vector<512x8xf32>
    %mul3A_172 = arith.mulf %mul3A_171, %add3A_166 : vector<512x8xf32>
    %select_n3A_173 = arith.select %ge3A_169, %add3A_166, %mul3A_172 : vector<512x8xi1>, vector<512x8xf32>
    %dot_general3A_174 = arith.constant dense<0.000000e+00> : vector<512x8xf32>
    %dot_general3A_175 = tpu.matmul %select_n3A_173, %get3A_89, %dot_general3A_174 {dimension_numbers = #tpu.dot_dimension_numbers<[1], [0], [0], [1], [0, 0, 1, 1], [], []>, transpose_lhs_hint = false} : vector<512x8xf32>, vector<8x8xf32>, vector<512x8xf32> -> vector<512x8xf32>
    %add3A_176 = vector.broadcast %get3A_92 : vector<1x8xf32> to vector<512x8xf32>
    %add3A_177 = arith.addf %dot_general3A_175, %add3A_176 : vector<512x8xf32>
    %ge3A_178 = arith.constant 0.000000e+00 : f32
    %ge3A_179 = vector.broadcast %ge3A_178 : f32 to vector<512x8xf32>
    %ge3A_180 = arith.cmpf oge, %add3A_177, %ge3A_179 : vector<512x8xf32>
    %mul3A_181 = arith.constant 5.000000e-02 : f32
    %mul3A_182 = vector.broadcast %mul3A_181 : f32 to vector<512x8xf32>
    %mul3A_183 = arith.mulf %mul3A_182, %add3A_177 : vector<512x8xf32>
    %select_n3A_184 = arith.select %ge3A_180, %add3A_177, %mul3A_183 : vector<512x8xi1>, vector<512x8xf32>
    %slice3A_185 = vector.extract_strided_slice %get3A_98 {offsets = [0, 2], sizes = [512, 1], strides = [1, 1]} : vector<512x3xf32> to vector<512x1xf32>
    %mul3A_186 = vector.broadcast %slice3A_185 : vector<512x1xf32> to vector<512x8xf32>
    %mul3A_187 = arith.mulf %select_n3A_184, %mul3A_186 : vector<512x8xf32>
    %add3A_188 = arith.addf %mul3A_127, %mul3A_157 : vector<512x8xf32>
    %add3A_189 = arith.addf %mul3A_127, %mul3A_187 : vector<512x8xf32>
    %add3A_190 = arith.addf %mul3A_157, %mul3A_187 : vector<512x8xf32>
    %concatenate3A = tpu.concatenate %select_n3A, %add3A_188, %select_n3A_48, %add3A_189, %select_n3A_64, %add3A_190 in 1 : vector<512x256xf32>, vector<512x8xf32>, vector<512x256xf32>, vector<512x8xf32>, vector<512x256xf32>, vector<512x8xf32> -> vector<512x792xf32>
    %swap3A = arith.constant 0 : index
    %swap3A_191 = arith.constant 0 : index
    %swap3A_192 = vector.load %arg12[%swap3A, %swap3A_191] : memref<512x792xf32, #tpu.memory_space<vmem>>, vector<512x792xf32>
    tpu.vector_store %arg12[%swap3A, %swap3A_191], %concatenate3A {strides = array<i32>} : memref<512x792xf32, #tpu.memory_space<vmem>>, vector<512x792xf32>,
    return
  }
  func.func @transform_0(%arg0: i32) -> (i32, i32) {
    %c0_i32 = arith.constant 0 : i32
    %c0_i32_0 = arith.constant 0 : i32
    return %arg0, %c0_i32 : i32, i32
  }
  func.func @transform_1(%arg0: i32) -> (i32, i32) {
    %c0_i32 = arith.constant 0 : i32
    %c0_i32_0 = arith.constant 0 : i32
    %c0_i32_1 = arith.constant 0 : i32
    return %c0_i32, %c0_i32_0 : i32, i32
  }
  func.func @transform_2(%arg0: i32) -> (i32, i32) {
    %c0_i32 = arith.constant 0 : i32
    %c0_i32_0 = arith.constant 0 : i32
    %c0_i32_1 = arith.constant 0 : i32
    return %c0_i32, %c0_i32_0 : i32, i32
  }
  func.func @transform_3(%arg0: i32) -> (i32, i32) {
    %c0_i32 = arith.constant 0 : i32
    %c0_i32_0 = arith.constant 0 : i32
    %c0_i32_1 = arith.constant 0 : i32
    return %c0_i32, %c0_i32_0 : i32, i32
  }
  func.func @transform_4(%arg0: i32) -> (i32, i32) {
    %c0_i32 = arith.constant 0 : i32
    %c0_i32_0 = arith.constant 0 : i32
    return %arg0, %c0_i32 : i32, i32
  }
  func.func @transform_5(%arg0: i32) -> (i32, i32) {
    %c0_i32 = arith.constant 0 : i32
    %c0_i32_0 = arith.constant 0 : i32
    return %arg0, %c0_i32 : i32, i32
  }
  func.func @transform_6(%arg0: i32) -> (i32, i32) {
    %c0_i32 = arith.constant 0 : i32
    %c0_i32_0 = arith.constant 0 : i32
    %c0_i32_1 = arith.constant 0 : i32
    return %c0_i32, %c0_i32_0 : i32, i32
  }
  func.func @transform_7(%arg0: i32) -> (i32, i32) {
    %c0_i32 = arith.constant 0 : i32
    %c0_i32_0 = arith.constant 0 : i32
    %c0_i32_1 = arith.constant 0 : i32
    return %c0_i32, %c0_i32_0 : i32, i32
  }
  func.func @transform_8(%arg0: i32) -> (i32, i32) {
    %c0_i32 = arith.constant 0 : i32
    %c0_i32_0 = arith.constant 0 : i32
    %c0_i32_1 = arith.constant 0 : i32
    return %c0_i32, %c0_i32_0 : i32, i32
  }
  func.func @transform_9(%arg0: i32) -> (i32, i32) {
    %c0_i32 = arith.constant 0 : i32
    %c0_i32_0 = arith.constant 0 : i32
    %c0_i32_1 = arith.constant 0 : i32
    return %c0_i32, %c0_i32_0 : i32, i32
  }
  func.func @transform_10(%arg0: i32) -> (i32, i32) {
    %c0_i32 = arith.constant 0 : i32
    %c0_i32_0 = arith.constant 0 : i32
    %c0_i32_1 = arith.constant 0 : i32
    return %c0_i32, %c0_i32_0 : i32, i32
  }
  func.func @transform_11(%arg0: i32) -> (i32, i32) {
    %c0_i32 = arith.constant 0 : i32
    %c0_i32_0 = arith.constant 0 : i32
    return %arg0, %c0_i32 : i32, i32
  }
}

</mosaic_0001>

<sc_bundles>
// kernel: sparse-core-data-format-call.cloned.1.call-start
scs
called_computation_lowered:
.L_overlay_start_0:
0x0: {  	s2 =	sld [smem:$0x3FD9]  }
0x1: {  	s3 =	sld [smem:$0x3FFE];
	_ =	sdelay $0x1  }
0x2: {  	s1 =	srdreg.scid  }
0x3: {  	s0 =	sand.u32 $0x1, s1  }
0x4: {  	s18 =	sshll.u32 s0, $0xA;
	s2 =	sadd.s32 s3, s2  }
0x5: {  	s2 =	sadd.s32 s2, s18  }
0x6: {  	[smem:$0x3FB7] =	sst s2  }
0x7: {  	_ = 	snop  }
0x8: {  	s2 =	sld [smem:$0x3FD0];
	(tm) =	ssettm $0x1  }
0x9: {  	s19 =	sld [smem:$0x3FFB];
	_ =	sdelay $0x3  }
0xa: {  	_ =	strace s19  }
0xb: {  	s3 =	sld [smem:$0x3FFC];
	_ =	sdelay $0x3  }
0xc: {  	_ =	strace s3  }
0xd: {  	s3 =	sld [smem:$0x3FFD];
	_ =	sdelay $0x3  }
0xe: {  	_ =	strace s3  }
0xf: {  	_ =	strace $0x8FFFFFFF  }
0x10: {  	s20 =	sld [smem:$0x3FDB];
	_ =	sdelay $0x1  }
0x11: {  	s4 =	simm.s32 $_scs_section_size  }
0x12: {  	s5 =	simm.s32 $_size__tile_overlayer_lowered;
	s6 =	simm.s32 $_tile_overlayer_lowered  }
0x13: {  	s23 =	simm.s32 $0x1BFF;
	s22 =	sshll.u32 s6, $0x1;
	s3 =	sadd.s32 s4, s20  }
0x14: {  	s7 =	simm.s32 $0x0;
	s21 =	sshll.u32 s5, $0x1;
	s5 =	sadd.s32 s22, s3  }
0x15: {  	[timem:s7], [sflag:s23] =	dma.local [hbm:s5], s21  }
0x16: {  	_ =	swait.ge [sflag:s23], s21  }
0x17: {  	s4 =	ssub.s32 $0x0, s21;
	[sflag:s23] =	ssyncset.done $0x0  }
0x18: {  	[sflag:s23] =	ssyncadd.s32 s4;
	_ =	sdelay $0x1  }
0x19: {  	s24 =	simm.s32 $0x1B8B  }
0x1a: {  	_ =	swait.ge [sflag:s24], $0x1  }
0x1b: {  	[sflag:s24] =	ssyncset.done $0x0  }
0x1c: {  	s26 =	simm.s32 $0x1B8E;
	s25 =	sld [smem:$0x3FFE];
	[sflag:s24] =	ssyncadd.s32 $0xFFFFFFFF  }
0x1d: {  	s27 =	simm.s32 $execute0_lowered;
	[smem:$0x3FD2] =	sst s26  }
0x1e: {  	s5 =	sshll.u32 s27, $0x1;
	_ =	strace $0x80000046;
	[dreg:$0x1] =	wrdreg $0xFFFFFFFF  }
0x1f: {  	s28 =	simm.s32 $_size_execute0_lowered;
	s3 =	sadd.s32 s3, s5;
	[dreg:$0x0] =	wrdreg $0x0  }
0x20: {  	s5 =	sshll.u32 s28, $0x1;
	[dreg:$0x2] =	wrdreg s3  }
0x21: {  	[dreg:$0x3] =	wrdreg s5  }
0x22: {  	[dreg:$0x4] =	wrdreg $0xC0  }
0x23: {  	_ =	task [dreg:s7], $0x5FFFF  }
0x24: {  	[dreg:$0x1] =	wrdreg $0xFFFFFFFF  }
0x25: {  	[dreg:$0x0] =	wrdreg $0x60  }
0x26: {  	[dreg:$0x2] =	wrdreg s25  }
0x27: {  	[dreg:$0x3] =	wrdreg s2  }
0x28: {  	[dreg:$0x4] =	wrdreg $0x9  }
0x29: {  	_ =	task.clear_ibuf [dreg:s7], $0x5FFFF;
	_ =	strace $0x90000046  }
0x2a: {  	s29 =	simm.s32 $0x9;
	_ =	strace $0x80000048  }
0x2b: {  	_ =	swait.ge [sflag:s29], $0x1  }
0x2c: {  	[sflag:s29] =	ssyncadd.s32 $0xFFFFFFFF  }
0x2d: {  	_ =	strace $0x90000048  }
0x2e: {  	_ =	sfence  }
0x2f: {  	s30 =	sld [smem:$0x0];
	_ =	sdelay $0x2  }
0x30: {  	s31 =	sshll.u32 s1, $0xD;
	s1 =	sshrl.u32 s1, $0x2  }
0x31: {  	s3 =	sand.u32 $0x4000, s31;
	s1 =	sadd.s32 s1, s30  }
0x32: {  	s0 =	sor.u32 s3, s0;
	s1 =	sshll.u32 s1, $0x11  }
0x33: {  	s0 =	sor.u32 s1, s0  }
0x34: {  	s0 =	sadd.s32 $0x8F2B, s0  }
0x35: {  	[sflag:s0] =	ssyncadd.remote.s32 $0x1  }
0x36: {  	_ =	sfence.sel $0xFFFF  }
0x37: {  	[dreg:$0x0] =	wrdreg $0xFFFFFFFF;
	(pc) =	sbr.abs _section_cstart, $3  }
0x38: {  	[dreg:$0x1] =	wrdreg $0xFFFFFFFF  }
0x39: {  	_ =	task.clear_ibuf [dreg:s7], $0x2FFFF;
	_ =	strace $0x9FFFFFFF  }
0x3a: {  	(tm) =	ssettm $0x7FFFFFFF  }
0x3b: {  	_ =	shalt  }
tec
execute0_lowered:
.L_overlay_start_1:
0x0: {  	(tag) =	ssettag $0x1  }
0x1: {  	s0 =	srdreg.scid  }
0x2: {  	s1 =	sshll.u32 s0, $0x4  }
0x3: {  	s6 =	rddreg [dreg:$0x0];
	s0 =	stileid.u32;
	s1 =	sand.u32 $0x10, s1  }
0x4: {  	s3 =	rddreg [dreg:$0x1];
	s1 =	sor.u32 s0, s1  }
0x5: {  	s5 =	simm.s32 $0x1;
	s31 =	simm.s32 $0x2;
	s2 =	sshll.u32 s1, $0x7  }
0x6: {  	s15 =	simm.s32 $0x0;
	s8 =	simm.s32 $0x60000;
	s4 =	ssub.s32 $0xC000, s2  }
0x7: {  	s14 =	simm.s32 $0x0;
	s9 =	simm.s32 $0x0;
	s30 =	sand.u32 $0xF80, s4  }
0x8: {  	s10 =	simm.s32 $0x0;
	s11 =	simm.s32 $0x0;
	p0 =	sne.s32 s30, $0x0  }
.Ltmp0:
0x9: {  	s7 =	sshrl.u32 s4, $0xC;
	s5 =	simm.s32 @!p0 $0x0;
	(pc) =	sbr.rel .LBB1_1-.Ltmp0, $4  }
0xa: {  	s13 =	simm.s32 $0x0;
	s1 =	rddreg [dreg:$0x2];
	s5 =	sadd.s32 s5, s7  }
0xb: {  	_ =	strace $0x80000047;
	s4 =	simm.s32 $0x1;
	s5 =	smul.u32 $0x3, s5  }
0xc: {  	s6 =	sadd.s32 $0x1C3200, s6;
	s12 =	smov.u32 s2;
	[sflag:s4] =	ssyncpa.u1 $0x0  }
0xd: {  	[sflag:s31] =	ssyncpa.u1 $0x0;
	p0 =	por $0x0, $0x0;
	s7 =	sadd.s32 $0x1, s5  }
.LBB1_4:
0xe: {  	s21 =	sshrl.u32 s9, $0x3;
	s22 =	sshll.u32 s10, $0x3;
	s23 =	sshll.u32 s9, $0x7  }
0xf: {  	s24 =	sand.u32 $0x7F, s10;
	s20 =	sshra.s32 s20, $0x2;
	p1 =	sgt.s32 s9, $0x88  }
0x10: {  	s27 =	sshra.s32 s9, $0x1F;
	s21 =	smul.u32 $0x60000, s21;
	s22 =	sand.u32 $0xFFFFFC00, s22  }
0x11: {  	s23 =	sand.u32 $0x380, s23;
	s19 =	sadd.s32 s20, s19;
	s20 =	smov.u32 s9  }
0x12: {  	s25 =	sor.u32 s24, s23;
	s20 =	simm.s32 @!p1 $0x88;
	s21 =	sadd.s32 s22, s21  }
0x13: {  	v5 =	vld [tilespmem:s17+$0xFFFFFFD0];
	[tilespmem:s18+$0x2040 ss:$0x81] =	vst.msk $0xffff, v4;
	s24 =	sand.u32 s27, s9;
	s22 =	sor.u32 s21, s25;
	s21 =	smulhi.u32 $0xAAAAAAAB, s21  }
0x14: {  	v58 =	vld [tilespmem:s17+$0xFFFFFFE0];
	[tilespmem:s18+$0x2850 ss:$0x81] =	vst.msk $0xffff, v3;
	p1 =	sgt.s32 s10, $0xBF80;
	s20 =	ssub.s32 s20, s24;
	s26 =	smulhi.u32 $0xAAAAAAAB, s22  }
0x15: {  	v59 =	vld [tilespmem:s17+$0xFFFFFFF0];
	[tilespmem:s18+$0x3060 ss:$0x81] =	vst.msk $0xffff, v2;
	s25 =	smov.u32 s10;
	s31 =	sadd.s32 $0xFFFFFF78, s20;
	s28 =	sshrl.u32 s21, $0xF  }
0x16: {  	v60 =	vld [tilespmem:s17+$0x0];
	[tilespmem:s18+$0x0 ss:$0x81] =	vst.msk $0xffff, v0;
	s23 =	sshrl.u32 s26, $0xF;
	s26 =	sshra.s32 s10, $0x1F;
	s30 =	smulhi.u32 $0xF83E10, s28  }
0x17: {  	v61 =	vld [tilespmem:s17+$0x10];
	[tilespmem:s19+$0x3870 ss:$0x81] =	vst.msk $0xffff, v1;
	s20 =	ssub.s32 $0x108, s20;
	s25 =	simm.s32 @!p1 $0xBF80;
	s26 =	sand.u32 s26, s10  }
0x18: {  	v62 =	vld [tilespmem:s17+$0x20];
	p1 =	sgt.s32 s31, $0x7F;
	[tilespmem:s19+$0x810 ss:$0x81] =	vst.msk $0xffff, v5;
	s29 =	ssub.s32 s25, s26;
	s27 =	smul.u32 $0x108, s30  }
0x19: {  	v63 =	vld [tilespmem:s17+$0xFFFFFFC0];
	[tilespmem:s19+$0x1020 ss:$0x81] =	vst.msk $0xffff, v58;
	s20 =	simm.s32 @p1 $0x0;
	s23 =	smul.u32 $0xC000, s23;
	s26 =	sadd.s32 $0xFFFF4080, s29  }
0x1a: {  	[tilespmem:s19+$0x1830 ss:$0x81] =	vst.msk $0xffff, v59;
	s21 =	ssub.s32 $0xC000, s29;
	p2 =	sgt.s32 s26, $0x7F;
	s17 =	ssub.s32 s28, s27  }
0x1b: {  	[tilespmem:s19+$0x2040 ss:$0x81] =	vst.msk $0xffff, v60;
	s22 =	ssub.s32 s22, s23;
	s21 =	simm.s32 @p2 $0x0;
	s17 =	smul.u32 $0x1800, s17  }
0x1c: {  	[tilespmem:s19+$0x2850 ss:$0x81] =	vst.msk $0xffff, v61;
	s29 =	sshrl.u32 s22, $0x3;
	s30 =	sand.u32 $0x7, s22;
	s28 =	smul.u32 s21, s20  }
0x1d: {  	[tilespmem:s19+$0x3060 ss:$0x81] =	vst.msk $0xffff, v62;
	s20 =	sadd.s32 s3, s29;
	s21 =	sshll.u32 s30, $0x12  }
0x1e: {  	[tilespmem:s19+$0x0 ss:$0x81] =	vst.msk $0xffff, v63;
	s17 =	sadd.s32 s17, s20;
	s31 =	sor.u32 $0x400, s21;
	s18 =	sand.u32 $0x3FFFFFFF, s28  }
0x1f: {  	[hbm4b:s17+s31] =	stream.strided.scatter [tilespmem:s16], [sflag:$0x2], s18, s8, s31, $0x20;
	[tilespmem:$0x10100] =	vst v63  }
.LBB1_5:
0x20: {  	p1 =	slt.u32 s13, $0x2  }
0x21: {  	s17 =	smov.u32 s15;
	p2 =	sgt.s32 @!p1 s15, $0x88;
	s16 =	sshra.s32 @!p1 s15, $0x1F  }
0x22: {  	p3 =	sgt.s32 @!p1 s14, $0xBF80;
	s18 =	sshra.s32 @!p1 s14, $0x1F;
	p2 =	por !p2, p1  }
0x23: {  	s15 =	sand.u32 @!p1 s16, s15;
	p3 =	por !p3, p1;
	s16 =	smov.u32 s14  }
0x24: {  	s14 =	sand.u32 @!p1 s18, s14;
	s17 =	simm.s32 @p2 $0x88;
	s16 =	simm.s32 @p3 $0xBF80  }
0x25: {  	s15 =	ssub.s32 @!p1 s17, s15;
	s14 =	ssub.s32 @!p1 s16, s14  }
0x26: {  	s18 =	smov.u32 s12;
	s16 =	sadd.s32 @!p1 $0xFFFFFF78, s15;
	s17 =	sadd.s32 @!p1 $0xFFFF4080, s14  }
0x27: {  	s15 =	ssub.s32 @!p1 $0x108, s15;
	p2 =	sgt.s32 @!p1 s16, $0x7F;
	p3 =	sgt.s32 @!p1 s17, $0x7F  }
0x28: {  	s14 =	ssub.s32 @!p1 $0xC000, s14;
	p2 =	por !p2, p1;
	p3 =	por !p3, p1  }
0x29: {  	s16 =	sadd.s32 $0x80, s11;
	s15 =	simm.s32 @!p2 $0x0;
	s14 =	simm.s32 @!p3 $0x0  }
0x2a: {  	p2 =	sgt.s32 s16, $0x107;
	s14 =	smul.u32 @!p1 s14, s15;
	s15 =	sadd.s32 $0x1000, s12  }
0x2b: {  	s18 =	smov.u32 @p2 s15  }
0x2c: {  	s16 =	simm.s32 @p2 $0x0;
	p2 =	sgt.s32 s18, $0xBFFF  }
0x2d: {  	s18 =	smov.u32 @p2 s2;
	p2 =	sne.s32 s13, s7  }
.Ltmp1:
0x2e: {  	p0 =	por !p0, !p0;
	s17 =	simm.s32 @!p1 $0x2;
	(pc) =	sbr.rel @!p2 .LBB1_6-.Ltmp1, $4  }
0x2f: {  	s15 =	smov.u32 s9;
	s9 =	smov.u32 s11;
	s14 =	sand.u32 @!p1 $0x3FFFFFFF, s14  }
0x30: {  	s11 =	smov.u32 s16;
	_ =	swait.ge @!p1 [sflag:s17], s14;
	s19 =	ssub.s32 @!p1 $0x0, s14  }
0x31: {  	s14 =	smov.u32 s10;
	s13 =	sadd.s32 $0x1, s13;
	[sflag:s17] =	ssyncset.done @!p1 $0x0  }
0x32: {  	s10 =	smov.u32 s12;
	s12 =	smov.u32 s18;
	[sflag:s17] =	ssyncadd.s32 @!p1 s19  }
.LBB1_1:
0x33: {  	p1 =	sge.u32 s13, s5  }
0x34: {  	s16 =	sshrl.u32 @!p1 s12, $0x3  }
0x35: {  	s17 =	sshll.u32 @!p1 s11, $0x3;
	s16 =	smul.u32 @!p1 $0xC00, s16  }
0x36: {  	s18 =	sshll.u32 @!p1 s12, $0x7;
	s17 =	sand.u32 @!p1 $0xFFFFFC00, s17  }
0x37: {  	s16 =	sadd.s32 @!p1 s16, s17;
	s17 =	sand.u32 @!p1 $0x380, s18  }
0x38: {  	s16 =	sor.u32 @!p1 s17, s16  }
0x39: {  	s17 =	sand.u32 @!p1 $0x7F, s11;
	s18 =	smulhi.u32 @!p1 $0xAAAAAAAB, s16  }
0x3a: {  	s16 =	sor.u32 @!p1 s17, s16  }
0x3b: {  	s17 =	smulhi.u32 @!p1 $0xAAAAAAAB, s16;
	s18 =	sshrl.u32 @!p1 s18, $0x8  }
0x3c: {  	s19 =	smulhi.u32 @!p1 $0xAAAAAB, s18  }
0x3d: {  	s17 =	sshrl.u32 @!p1 s17, $0x8  }
0x3e: {  	s17 =	smul.u32 @!p1 $0x180, s17;
	s19 =	sshrl.u32 @!p1 s19, $0x7  }
0x3f: {  	s19 =	smul.u32 @!p1 $0xC000, s19  }
0x40: {  	s31 =	sadd.s32 $0xFFFFFFFF, s13;
	s20 =	sxor.u32 @!p1 $0xFFFFFFFF, s13  }
0x41: {  	s16 =	ssub.s32 @!p1 s16, s17;
	s17 =	sshll.u32 @!p1 s20, $0xE;
	s18 =	ssub.s32 @!p1 s18, s19  }
0x42: {  	s19 =	sshrl.u32 @!p1 s16, $0x3;
	s16 =	sand.u32 @!p1 $0x7, s16;
	s18 =	smul.u32 @!p1 $0x30, s18  }
0x43: {  	s17 =	sand.u32 @!p1 $0x4000, s17;
	s19 =	sadd.s32 @!p1 s6, s19;
	s16 =	sshll.u32 @!p1 s16, $0x12  }
0x44: {  	s16 =	sor.u32 @!p1 $0x400, s16;
	s18 =	sadd.s32 @!p1 s18, s19;
	s19 =	simm.s32 @!p1 $0xC00  }
0x45: {  	[tilespmem:s17], [sflag:$0x1] =	stream.strided.gather @!p1 [hbm4b:s18+s16], $0x4000, s19, s16, $0x38;
	[tilespmem:$0x10100] =	vst v63  }
0x46: {  	p1 =	sge.u32 s31, s5  }
.Ltmp2:
0x47: {  	_ = 	snop;
	(pc) =	sbr.rel @p1 .LBB1_5-.Ltmp2, $1  }
0x48: {  	_ =	sdelay $0x3  }
0x49: {  	s16 =	simm.s32 $0x1  }
0x4a: {  	_ =	swait.ge [sflag:s4], $0x4000;
	s16 =	simm.s32 @!p0 $0x0  }
0x4b: {  	[sflag:s4] =	ssyncset.done $0x0;
	s17 =	sshll.u32 s16, $0xE  }
0x4c: {  	[sflag:s4] =	ssyncadd.s32 $0xFFFFC000;
	s17 =	sor.u32 $0x40, s17  }
0x4d: {  	s16 =	smul.u32 $0x10200, s16;
	v0 =	vld [tilespmem:s17+$0x30]  }
0x4e: {  	v1 =	vld [tilespmem:s17+$0xFFFFFFD0]  }
0x4f: {  	s16 =	sshrl.u32 s16, $0x2;
	v5 =	vld [tilespmem:s17+$0xFFFFFFE0]  }
0x50: {  	v6 =	vld [tilespmem:s17+$0xFFFFFFF0];
	s19 =	sor.u32 $0x8000, s16  }
0x51: {  	s31 =	sand.u32 $0x1, s13;
	v4 =	vld [tilespmem:s17+$0x0];
	s18 =	sadd.s32 $0x0, s19  }
0x52: {  	v3 =	vld [tilespmem:s17+$0x10];
	s16 =	smul.u32 $0x10200, s31;
	[tilespmem:s18+$0x3870 ss:$0x81] =	vst.msk $0xffff, v0  }
0x53: {  	v2 =	vld [tilespmem:s17+$0x20];
	[tilespmem:s18+$0x810 ss:$0x81] =	vst.msk $0xffff, v1  }
0x54: {  	s16 =	sshrl.u32 s16, $0x2;
	v0 =	vld [tilespmem:s17+$0xFFFFFFC0];
	[tilespmem:s18+$0x1020 ss:$0x81] =	vst.msk $0xffff, v5;
	s17 =	sadd.s32 $0x80, s17  }
0x55: {  	s20 =	simm.s32 $0x4;
	s21 =	simm.s32 $0x8;
	s16 =	sor.u32 $0x8000, s16;
	[tilespmem:s18+$0x1830 ss:$0x81] =	vst.msk $0xffff, v6;
	v1 =	vld [tilespmem:s17+$0x30]  }
.LBB1_3:
0x56: {  	p1 =	sne.s32 s21, $0x1FC;
	v5 =	vld [tilespmem:s17+$0xFFFFFFD0];
	[tilespmem:s18+$0x2040 ss:$0x81] =	vst.msk $0xffff, v4  }
0x57: {  	v6 =	vld [tilespmem:s17+$0xFFFFFFE0];
	[tilespmem:s18+$0x2850 ss:$0x81] =	vst.msk $0xffff, v3  }
0x58: {  	s22 =	sshra.s32 s20, $0x2;
	s20 =	smov.u32 s21;
	v7 =	vld [tilespmem:s17+$0xFFFFFFF0];
	[tilespmem:s18+$0x3060 ss:$0x81] =	vst.msk $0xffff, v2  }
.Ltmp3:
0x59: {  	v4 =	vld [tilespmem:s17+$0x0];
	[tilespmem:s18+$0x0 ss:$0x81] =	vst.msk $0xffff, v0;
	s18 =	sadd.s32 s22, s19;
	(pc) =	sbr.rel @p1 .LBB1_3-.Ltmp3, $4  }
0x5a: {  	v3 =	vld [tilespmem:s17+$0x10];
	[tilespmem:s18+$0x3870 ss:$0x81] =	vst.msk $0xffff, v1  }
0x5b: {  	[tilespmem:s18+$0x810 ss:$0x81] =	vst.msk $0xffff, v5;
	v2 =	vld [tilespmem:s17+$0x20]  }
0x5c: {  	v0 =	vld [tilespmem:s17+$0xFFFFFFC0];
	[tilespmem:s18+$0x1020 ss:$0x81] =	vst.msk $0xffff, v6;
	s17 =	sadd.s32 $0x80, s17  }
0x5d: {  	s21 =	sadd.s32 $0x4, s21;
	v1 =	vld [tilespmem:s17+$0x30];
	[tilespmem:s18+$0x1830 ss:$0x81] =	vst.msk $0xffff, v7  }
.Ltmp4:
0x5e: {  	_ = 	snop;
	(pc) =	sbr.rel .LBB1_4-.Ltmp4, $1  }
0x5f: {  	_ =	sdelay $0x3  }
.LBB1_6:
0x60: {  	_ =	sfence.sel $0x180000  }
0x61: {  	s2 =	simm.s32 $0x1;
	[bflag:$0x0] =	sbarrier.arrive $0xFFFF  }
0x62: {  	s31 =	simm.s32 $0x2;
	[sflag:s2] =	ssyncpa.u1 $0x1  }
0x63: {  	[sflag:s31] =	ssyncpa.u1 $0x1  }
0x64: {  	p0 =	sne.s32 s0, $0x0;
	_ =	strace $0x90000047  }
0x65: {  	s0 =	sadd.s32 @!p0 $0x100000, s1;
	[bflag:$0x2] =	sbarrier.arrive $0xFFFF  }
0x66: {  	[sflag:s0] =	ssyncadd.tile.s32 @!p0 $0x1;
	_ =	shalt  }
.Lfunc_end1:
_tile_overlayer_lowered:
.L_overlay_start_2:
0x67: {  	(tag) =	ssettag $0x2  }
0x68: {  	s0 =	rddreg [dreg:$0x0];
	s2 =	stileid.u32  }
0x69: {  	s1 =	rddreg [dreg:$0x1];
	p0 =	sne.s32 s2, $0x0  }
0x6a: {  	s3 =	rddreg [dreg:$0x2];
	[bflag:$0x3] =	sbarrier.arrive $0xFFFF;
	s2 =	simm.s32 @!p0 $0x1C01  }
0x6b: {  	[timem:s3], [sflag:s2] =	dma.local @!p0 [hbm:s0], s1  }
0x6c: {  	s0 =	simm.s32 @!p0 $0x1  }
0x6d: {  	_ =	swait.ge @!p0 [sflag:s0], s1  }
0x6e: {  	s1 =	ssub.s32 @!p0 $0x0, s1;
	[sflag:s0] =	ssyncset.done @!p0 $0x0  }
0x6f: {  	[sflag:s0] =	ssyncadd.s32 @!p0 s1  }
0x70: {  	[bflag:$0x3] =	sbarrier.arrive $0xFFFF  }
0x71: {  	_ =	shalt  }

</sc_bundles>
